<compile_context>
chip_gen: v7x
topology: tpu7x:2x2x1
jax: 0.10.2.dev20260603
libtpu: 0.0.44.dev20260713+nightly
codegen_flags: <defaults>
</compile_context>

<pallas_src>
import functools

import jax
import jax.numpy as jnp
from jax import lax
from jax.experimental import pallas as pl
from jax.experimental.pallas import tpu as pltpu
from jax.experimental.pallas import tpu_sc as plsc

NUM_NODES = 100000
NUM_EDGES = 6400000

NC = 2
NS = 16
NW = NC * NS
L = 16

EPT = NUM_EDGES // NW
EB1 = 4000
NB1 = EPT // EB1
EB2 = 4000
NB2 = EPT // EB2
HO = EB2 // 2
U1 = 10
U2 = 5
NPAD = 100352
NSLICE = NPAD // NS
HA = 3200
HB = NSLICE - HA


def _mesh():
    return plsc.VectorSubcoreMesh(
        core_axis_name="c",
        subcore_axis_name="s",
        num_cores=NC,
        num_subcores=NS,
    )


def _start(hbm, off, n, buf, sem):
    pltpu.make_async_copy(hbm.at[pl.ds(off, n)], buf, sem).start()


def _wait(hbm, off, n, buf, sem):
    pltpu.make_async_copy(hbm.at[pl.ds(off, n)], buf, sem).wait()


def _phase1(e_hbm, ei_hbm, part_hbm, table_v, e_v0, e_v1, i_v0, i_v1,
            shared_v, se0, se1, si0, si1):
    cid = lax.axis_index("c")
    sid = lax.axis_index("s")
    wid = cid * NS + sid
    ebase = wid * EPT

    _start(e_hbm, ebase, EB1, e_v0, se0)
    _start(ei_hbm, ebase, EB1, i_v0, si0)

    @plsc.parallel_loop(0, NPAD // L, unroll=8)
    def zero_body(i):
        table_v[pl.ds(i * L, L)] = jnp.zeros((L,), jnp.float32)

    def scat_chunk(eb, ib):
        @plsc.parallel_loop(0, EB1 // L, unroll=U1)
        def edge_body(i):
            s = pl.ds(i * L, L)
            plsc.addupdate_scatter(table_v, [ib[s]], jnp.exp(eb[s]))

    def dbl_body(g, _):
        b1 = ebase + (2 * g + 1) * EB1
        _start(e_hbm, b1, EB1, e_v1, se1)
        _start(ei_hbm, b1, EB1, i_v1, si1)
        _wait(e_hbm, b1, EB1, e_v0, se0)
        _wait(ei_hbm, b1, EB1, i_v0, si0)
        scat_chunk(e_v0, i_v0)

        @pl.when(g + 1 < NB1 // 2)
        def _():
            b2 = ebase + (2 * g + 2) * EB1
            _start(e_hbm, b2, EB1, e_v0, se0)
            _start(ei_hbm, b2, EB1, i_v0, si0)

        _wait(e_hbm, b1, EB1, e_v1, se1)
        _wait(ei_hbm, b1, EB1, i_v1, si1)
        scat_chunk(e_v1, i_v1)
        return 0

    lax.fori_loop(0, NB1 // 2, dbl_body, 0)

    def publish(r):
        o = lax.rem(sid + r, NS)
        pltpu.sync_copy(table_v.at[pl.ds(o * NSLICE, NSLICE)],
                        shared_v.at[lax.rem(r, 2), o])

    def add_part(off, n, buf):
        @plsc.parallel_loop(0, n // L, unroll=8)
        def add_body(i):
            s = pl.ds(sid * NSLICE + off + i * L, L)
            table_v[s] = table_v[s] + buf[pl.ds(i * L, L)]

    publish(1)

    def round_body(r, _):
        plsc.subcore_barrier()
        p = lax.rem(r, 2)
        c0 = pltpu.make_async_copy(shared_v.at[p, sid, pl.ds(0, HA)],
                                   e_v0.at[pl.ds(0, HA)], se0)
        c1 = pltpu.make_async_copy(shared_v.at[p, sid, pl.ds(HA, HB)],
                                   e_v1.at[pl.ds(0, HB)], se1)
        c0.start()
        c1.start()

        @pl.when(r + 1 < NS)
        def _():
            publish(r + 1)

        c0.wait()
        add_part(0, HA, e_v0)
        c1.wait()
        add_part(HA, HB, e_v1)
        return 0

    lax.fori_loop(1, NS, round_body, 0)
    pltpu.sync_copy(table_v.at[pl.ds(sid * NSLICE, NSLICE)],
                    part_hbm.at[pl.ds(cid * NPAD + sid * NSLICE, NSLICE)])


def _phase2(e_hbm, ei_hbm, part_hbm, alpha_hbm, table_v, e_v0, e_v1, i_v0,
            i_v1, o_v0, o_v1, shared_v, se0, se1, si0, si1, so0, so1):
    cid = lax.axis_index("c")
    sid = lax.axis_index("s")
    wid = cid * NS + sid
    ebase = wid * EPT

    _start(e_hbm, ebase, EB2, e_v0, se0)
    _start(ei_hbm, ebase, EB2, i_v0, si0)

    def comb(off, n):
        c0 = pltpu.make_async_copy(
            part_hbm.at[pl.ds(sid * NSLICE + off, n)],
            o_v0.at[pl.ds(0, n)], so0)
        c1 = pltpu.make_async_copy(
            part_hbm.at[pl.ds(NPAD + sid * NSLICE + off, n)],
            o_v1.at[pl.ds(0, n)], so1)
        c0.start()
        c1.start()
        c0.wait()
        c1.wait()

        @plsc.parallel_loop(0, n // L, unroll=8)
        def add_body(i):
            s = pl.ds(i * L, L)
            o_v0[s] = o_v0[s] + o_v1[s]

        pltpu.sync_copy(o_v0.at[pl.ds(0, n)],
                        shared_v.at[pl.ds(sid * NSLICE + off, n)])

    for off, n in ((0, 1920), (1920, 1920), (3840, 1920), (5760, 512)):
        comb(off, n)
    plsc.subcore_barrier()
    pltpu.sync_copy(shared_v, table_v)

    def gath_half(eb, ib, ob, hoff):
        @plsc.parallel_loop(0, HO // L, unroll=U2)
        def edge_body(i):
            si = pl.ds(hoff + i * L, L)
            g = plsc.load_gather(table_v, [ib[si]])
            ob[pl.ds(i * L, L)] = jnp.exp(eb[si]) / (g + 1e-16)

    def out_half(ob, off, sem, wait_first):
        @pl.when(wait_first)
        def _():
            pltpu.make_async_copy(ob, alpha_hbm.at[pl.ds(off, HO)],
                                  sem).wait()

    def proc_block(eb, ib, b, wait_first):
        out_half(o_v0, b, so0, wait_first)
        gath_half(eb, ib, o_v0, 0)
        pltpu.make_async_copy(o_v0, alpha_hbm.at[pl.ds(b, HO)], so0).start()
        out_half(o_v1, b, so1, wait_first)
        gath_half(eb, ib, o_v1, HO)
        pltpu.make_async_copy(o_v1, alpha_hbm.at[pl.ds(b + HO, HO)],
                              so1).start()

    def dbl_body(g, _):
        b0 = ebase + 2 * g * EB2
        b1 = b0 + EB2
        _start(e_hbm, b1, EB2, e_v1, se1)
        _start(ei_hbm, b1, EB2, i_v1, si1)
        _wait(e_hbm, b0, EB2, e_v0, se0)
        _wait(ei_hbm, b0, EB2, i_v0, si0)
        proc_block(e_v0, i_v0, b0, g > 0)

        @pl.when(g + 1 < NB2 // 2)
        def _():
            b2 = b0 + 2 * EB2
            _start(e_hbm, b2, EB2, e_v0, se0)
            _start(ei_hbm, b2, EB2, i_v0, si0)

        _wait(e_hbm, b1, EB2, e_v1, se1)
        _wait(ei_hbm, b1, EB2, i_v1, si1)
        proc_block(e_v1, i_v1, b1, True)
        return 0

    lax.fori_loop(0, NB2 // 2, dbl_body, 0)
    last = ebase + EPT - EB2
    pltpu.make_async_copy(o_v0, alpha_hbm.at[pl.ds(last, HO)], so0).wait()
    pltpu.make_async_copy(o_v1, alpha_hbm.at[pl.ds(last + HO, HO)],
                          so1).wait()


@functools.lru_cache(maxsize=None)
def _build():
    phase1 = pl.kernel(
        _phase1,
        out_type=jax.ShapeDtypeStruct((NC * NPAD,), jnp.float32),
        mesh=_mesh(),
        compiler_params=pltpu.CompilerParams(needs_layout_passes=False),
        scratch_types=[
            pltpu.VMEM((NPAD,), jnp.float32),
            pltpu.VMEM((EB1,), jnp.float32),
            pltpu.VMEM((EB1,), jnp.float32),
            pltpu.VMEM((EB1,), jnp.int32),
            pltpu.VMEM((EB1,), jnp.int32),
            pltpu.VMEM_SHARED((2, NS, NSLICE), jnp.float32),
            pltpu.SemaphoreType.DMA,
            pltpu.SemaphoreType.DMA,
            pltpu.SemaphoreType.DMA,
            pltpu.SemaphoreType.DMA,
        ],
    )
    phase2 = pl.kernel(
        _phase2,
        out_type=jax.ShapeDtypeStruct((NUM_EDGES,), jnp.float32),
        mesh=_mesh(),
        compiler_params=pltpu.CompilerParams(needs_layout_passes=False),
        scratch_types=[
            pltpu.VMEM((NPAD,), jnp.float32),
            pltpu.VMEM((EB2,), jnp.float32),
            pltpu.VMEM((EB2,), jnp.float32),
            pltpu.VMEM((EB2,), jnp.int32),
            pltpu.VMEM((EB2,), jnp.int32),
            pltpu.VMEM((HO,), jnp.float32),
            pltpu.VMEM((HO,), jnp.float32),
            pltpu.VMEM_SHARED((NPAD,), jnp.float32),
            pltpu.SemaphoreType.DMA,
            pltpu.SemaphoreType.DMA,
            pltpu.SemaphoreType.DMA,
            pltpu.SemaphoreType.DMA,
            pltpu.SemaphoreType.DMA,
            pltpu.SemaphoreType.DMA,
        ],
    )
    return phase1, phase2


@jax.jit
def kernel(e, edge_index):
    phase1, phase2 = _build()
    dst = edge_index[1].astype(jnp.int32)
    partials = phase1(e, dst)
    return phase2(e, dst, partials)

# --- scband reference (transcript-rebuilt; emitter-appended) ---
"""Pipeline reference for scband-gatstage4-attention-softmax-simple-51994874085813 (READ-ONLY COPY).

The authoritative reference and input builder live on the scoring server;
editing this copy changes nothing except your own understanding.
"""

import jax, jax.numpy as jnp
import numpy as np

NUM_NODES = 100000
NUM_EDGES = 6400000

def setup_inputs(seed: int = 0) -> dict:
    key = jax.random.key(seed)
    k1, k2 = jax.random.split(key)
    e = jax.random.normal(k1, (NUM_EDGES,), dtype=jnp.float32)
    edge_index = jax.random.randint(k2, (2, NUM_EDGES), 0, NUM_NODES, dtype=jnp.int64)
    return {"e": e, "edge_index": edge_index}

def reference(e, edge_index):
    target_nodes = edge_index[1]
    exp_e = jnp.exp(e)
    sum_exp = jnp.zeros((NUM_NODES,), dtype=exp_e.dtype).at[target_nodes].add(exp_e)
    alpha = exp_e / (sum_exp[target_nodes] + 1e-16)
    return alpha

if __name__ == "__main__":
    import jax
    _d = setup_inputs()
    print(jax.jit(kernel)(*tuple(_d.values())))

</pallas_src>

<mosaic_0001>
#map = affine_map<(d0, d1) -> (0)>
module attributes {stable_mosaic.version = 14 : i64} {
  func.func @_phase1(%arg0: i32, %arg1: i32, %arg2: memref<6400000xf32, #tpu.memory_space<hbm>>, %arg3: memref<6400000xi32, #tpu.memory_space<hbm>>, %arg4: memref<200704xf32, #tpu.memory_space<hbm>>, %arg5: memref<100352xf32, #tpu.memory_space<vmem>>, %arg6: memref<4000xf32, #tpu.memory_space<vmem>>, %arg7: memref<4000xf32, #tpu.memory_space<vmem>>, %arg8: memref<4000xi32, #tpu.memory_space<vmem>>, %arg9: memref<4000xi32, #tpu.memory_space<vmem>>, %arg10: memref<2x16x6272xf32, #tpu.memory_space<vmem_shared>>, %arg11: memref<!tpu.dma_semaphore, #tpu.memory_space<semaphore_mem>>, %arg12: memref<!tpu.dma_semaphore, #tpu.memory_space<semaphore_mem>>, %arg13: memref<!tpu.dma_semaphore, #tpu.memory_space<semaphore_mem>>, %arg14: memref<!tpu.dma_semaphore, #tpu.memory_space<semaphore_mem>>) attributes {dimension_semantics = [#tpu.dimension_semantics<core_parallel>, #tpu.dimension_semantics<subcore_parallel>], iteration_bounds = array<i64: 2, 16>, scalar_prefetch = 0 : i64, scratch_operands = 10 : i64, tpu.core_type = #tpu.core_type<sc_vector_subcore>, window_params = [{transform_indices = #map}, {transform_indices = #map}, {transform_indices = #map}]} {
    %mul3A = arith.constant 16 : i32
    %mul3A_0 = arith.muli %arg0, %mul3A : i32
    %add3A = arith.addi %mul3A_0, %arg1 : i32
    %mul3A_1 = arith.constant 200000 : i32
    %mul3A_2 = arith.muli %add3A, %mul3A_1 : i32
    %dma_start3A = tpu.memref_slice %arg2[%mul3A_2] : memref<6400000xf32, #tpu.memory_space<hbm>> -> memref<4000xf32, #tpu.memory_space<hbm>>
    %dma_start3A_3 = tpu.memref_slice %arg2[%mul3A_2] : memref<6400000xf32, #tpu.memory_space<hbm>> -> memref<4000xf32, #tpu.memory_space<hbm>>
    tpu.enqueue_dma source(%dma_start3A_3 : memref<4000xf32, #tpu.memory_space<hbm>>) target(%arg6 : memref<4000xf32, #tpu.memory_space<vmem>>) target_semaphore(%arg11 : memref<!tpu.dma_semaphore, #tpu.memory_space<semaphore_mem>>)
    %dma_start3A_4 = tpu.memref_slice %arg3[%mul3A_2] : memref<6400000xi32, #tpu.memory_space<hbm>> -> memref<4000xi32, #tpu.memory_space<hbm>>
    %dma_start3A_5 = tpu.memref_slice %arg3[%mul3A_2] : memref<6400000xi32, #tpu.memory_space<hbm>> -> memref<4000xi32, #tpu.memory_space<hbm>>
    tpu.enqueue_dma source(%dma_start3A_5 : memref<4000xi32, #tpu.memory_space<hbm>>) target(%arg8 : memref<4000xi32, #tpu.memory_space<vmem>>) target_semaphore(%arg13 : memref<!tpu.dma_semaphore, #tpu.memory_space<semaphore_mem>>)
    %parallel_loop3A = arith.constant 0 : i32
    %parallel_loop3A_6 = arith.constant 6272 : i32
    %parallel_loop3A_7 = arith.constant 1 : i32
    scf.for %parallel_loop3A_36 = %parallel_loop3A to %parallel_loop3A_6 step %parallel_loop3A_7  : i32 {
      %parallel_loop3A_37 = arith.constant 0.000000e+00 : f32
      %parallel_loop3A_38 = vector.broadcast %parallel_loop3A_37 : f32 to vector<16xf32>
      %parallel_loop3A_39 = arith.constant 16 : i32
      %parallel_loop3A_40 = arith.muli %parallel_loop3A_36, %parallel_loop3A_39 : i32
      %parallel_loop3A_41 = arith.index_cast %parallel_loop3A_40 : i32 to index
      %parallel_loop3A_42 = tpu.vector_load %arg5[%parallel_loop3A_41] {strides = array<i32>} : memref<100352xf32, #tpu.memory_space<vmem>>, vector<16xf32>,
      tpu.vector_store %arg5[%parallel_loop3A_41], %parallel_loop3A_38 {strides = array<i32>} : memref<100352xf32, #tpu.memory_space<vmem>>, vector<16xf32>,
    } {sc.loop_unroll_factor = 8 : i64, sc.parallel_access}
    %scan3A = arith.constant 0 : i32
    %scan3A_8 = arith.constant 0 : i32
    %scan3A_9 = arith.constant 25 : i32
    %scan3A_10 = arith.addi %scan3A_8, %scan3A_9 : i32
    %scan3A_11 = arith.constant 1 : i32
    %scan3A_12 = scf.for %scan3A_36 = %scan3A_8 to %scan3A_10 step %scan3A_11 iter_args(%scan3A_37 = %scan3A) -> (i32)  : i32 {
      %mul3A_38 = arith.constant 2 : i32
      %mul3A_39 = arith.muli %mul3A_38, %scan3A_36 : i32
      %add3A_40 = arith.constant 1 : i32
      %add3A_41 = arith.addi %mul3A_39, %add3A_40 : i32
      %mul3A_42 = arith.constant 4000 : i32
      %mul3A_43 = arith.muli %add3A_41, %mul3A_42 : i32
      %add3A_44 = arith.addi %mul3A_2, %mul3A_43 : i32
      %dma_start3A_45 = tpu.memref_slice %arg2[%add3A_44] : memref<6400000xf32, #tpu.memory_space<hbm>> -> memref<4000xf32, #tpu.memory_space<hbm>>
      %dma_start3A_46 = tpu.memref_slice %arg2[%add3A_44] : memref<6400000xf32, #tpu.memory_space<hbm>> -> memref<4000xf32, #tpu.memory_space<hbm>>
      tpu.enqueue_dma source(%dma_start3A_46 : memref<4000xf32, #tpu.memory_space<hbm>>) target(%arg7 : memref<4000xf32, #tpu.memory_space<vmem>>) target_semaphore(%arg12 : memref<!tpu.dma_semaphore, #tpu.memory_space<semaphore_mem>>)
      %dma_start3A_47 = tpu.memref_slice %arg3[%add3A_44] : memref<6400000xi32, #tpu.memory_space<hbm>> -> memref<4000xi32, #tpu.memory_space<hbm>>
      %dma_start3A_48 = tpu.memref_slice %arg3[%add3A_44] : memref<6400000xi32, #tpu.memory_space<hbm>> -> memref<4000xi32, #tpu.memory_space<hbm>>
      tpu.enqueue_dma source(%dma_start3A_48 : memref<4000xi32, #tpu.memory_space<hbm>>) target(%arg9 : memref<4000xi32, #tpu.memory_space<vmem>>) target_semaphore(%arg14 : memref<!tpu.dma_semaphore, #tpu.memory_space<semaphore_mem>>)
      %dma_wait3A = tpu.memref_slice %arg2[%add3A_44] : memref<6400000xf32, #tpu.memory_space<hbm>> -> memref<4000xf32, #tpu.memory_space<hbm>>
      %dma_wait3A_49 = tpu.memref_slice %arg2[%add3A_44] : memref<6400000xf32, #tpu.memory_space<hbm>> -> memref<4000xf32, #tpu.memory_space<hbm>>
      tpu.wait_dma2 semaphore(%arg11 : memref<!tpu.dma_semaphore, #tpu.memory_space<semaphore_mem>>) src(%dma_wait3A_49 : memref<4000xf32, #tpu.memory_space<hbm>>) dst(%arg6 : memref<4000xf32, #tpu.memory_space<vmem>>)
      %dma_wait3A_50 = tpu.memref_slice %arg3[%add3A_44] : memref<6400000xi32, #tpu.memory_space<hbm>> -> memref<4000xi32, #tpu.memory_space<hbm>>
      %dma_wait3A_51 = tpu.memref_slice %arg3[%add3A_44] : memref<6400000xi32, #tpu.memory_space<hbm>> -> memref<4000xi32, #tpu.memory_space<hbm>>
      tpu.wait_dma2 semaphore(%arg13 : memref<!tpu.dma_semaphore, #tpu.memory_space<semaphore_mem>>) src(%dma_wait3A_51 : memref<4000xi32, #tpu.memory_space<hbm>>) dst(%arg8 : memref<4000xi32, #tpu.memory_space<vmem>>)
      %parallel_loop3A_52 = arith.constant 0 : i32
      %parallel_loop3A_53 = arith.constant 250 : i32
      %parallel_loop3A_54 = arith.constant 1 : i32
      scf.for %parallel_loop3A_67 = %parallel_loop3A_52 to %parallel_loop3A_53 step %parallel_loop3A_54  : i32 {
        %parallel_loop3A_68 = arith.constant 16 : i32
        %parallel_loop3A_69 = arith.muli %parallel_loop3A_67, %parallel_loop3A_68 : i32
        %parallel_loop3A_70 = arith.index_cast %parallel_loop3A_69 : i32 to index
        %parallel_loop3A_71 = tpu.vector_load %arg8[%parallel_loop3A_70] {strides = array<i32>} : memref<4000xi32, #tpu.memory_space<vmem>>, vector<16xi32>,
        %parallel_loop3A_72 = arith.index_cast %parallel_loop3A_69 : i32 to index
        %parallel_loop3A_73 = tpu.vector_load %arg6[%parallel_loop3A_72] {strides = array<i32>} : memref<4000xf32, #tpu.memory_space<vmem>>, vector<16xf32>,
        %parallel_loop3A_74 = math.exp %parallel_loop3A_73 : vector<16xf32>
        tpu.vector_store_idx %arg5[%parallel_loop3A_71], %parallel_loop3A_74 {add = true} : memref<100352xf32, #tpu.memory_space<vmem>>[vector<16xi32>], vector<16xf32>,
      } {sc.loop_unroll_factor = 10 : i64, sc.parallel_access}
      %add3A_55 = arith.constant 1 : i32
      %add3A_56 = arith.addi %scan3A_36, %add3A_55 : i32
      %lt3A = arith.constant 25 : i32
      %lt3A_57 = arith.cmpi slt, %add3A_56, %lt3A : i32
      %convert_element_type3A = arith.extui %lt3A_57 : i1 to i32
      %cond3A = arith.constant 0 : i32
      %cond3A_58 = arith.cmpi ne, %convert_element_type3A, %cond3A : i32
      scf.if %cond3A_58 {
        %mul3A_67 = arith.constant 2 : i32
        %mul3A_68 = arith.muli %mul3A_67, %scan3A_36 : i32
        %add3A_69 = arith.constant 2 : i32
        %add3A_70 = arith.addi %mul3A_68, %add3A_69 : i32
        %mul3A_71 = arith.constant 4000 : i32
        %mul3A_72 = arith.muli %add3A_70, %mul3A_71 : i32
        %add3A_73 = arith.addi %mul3A_2, %mul3A_72 : i32
        %dma_start3A_74 = tpu.memref_slice %arg2[%add3A_73] : memref<6400000xf32, #tpu.memory_space<hbm>> -> memref<4000xf32, #tpu.memory_space<hbm>>
        %dma_start3A_75 = tpu.memref_slice %arg2[%add3A_73] : memref<6400000xf32, #tpu.memory_space<hbm>> -> memref<4000xf32, #tpu.memory_space<hbm>>
        tpu.enqueue_dma source(%dma_start3A_75 : memref<4000xf32, #tpu.memory_space<hbm>>) target(%arg6 : memref<4000xf32, #tpu.memory_space<vmem>>) target_semaphore(%arg11 : memref<!tpu.dma_semaphore, #tpu.memory_space<semaphore_mem>>)
        %dma_start3A_76 = tpu.memref_slice %arg3[%add3A_73] : memref<6400000xi32, #tpu.memory_space<hbm>> -> memref<4000xi32, #tpu.memory_space<hbm>>
        %dma_start3A_77 = tpu.memref_slice %arg3[%add3A_73] : memref<6400000xi32, #tpu.memory_space<hbm>> -> memref<4000xi32, #tpu.memory_space<hbm>>
        tpu.enqueue_dma source(%dma_start3A_77 : memref<4000xi32, #tpu.memory_space<hbm>>) target(%arg8 : memref<4000xi32, #tpu.memory_space<vmem>>) target_semaphore(%arg13 : memref<!tpu.dma_semaphore, #tpu.memory_space<semaphore_mem>>)
      } else {
      }
      %dma_wait3A_59 = tpu.memref_slice %arg2[%add3A_44] : memref<6400000xf32, #tpu.memory_space<hbm>> -> memref<4000xf32, #tpu.memory_space<hbm>>
      %dma_wait3A_60 = tpu.memref_slice %arg2[%add3A_44] : memref<6400000xf32, #tpu.memory_space<hbm>> -> memref<4000xf32, #tpu.memory_space<hbm>>
      tpu.wait_dma2 semaphore(%arg12 : memref<!tpu.dma_semaphore, #tpu.memory_space<semaphore_mem>>) src(%dma_wait3A_60 : memref<4000xf32, #tpu.memory_space<hbm>>) dst(%arg7 : memref<4000xf32, #tpu.memory_space<vmem>>)
      %dma_wait3A_61 = tpu.memref_slice %arg3[%add3A_44] : memref<6400000xi32, #tpu.memory_space<hbm>> -> memref<4000xi32, #tpu.memory_space<hbm>>
      %dma_wait3A_62 = tpu.memref_slice %arg3[%add3A_44] : memref<6400000xi32, #tpu.memory_space<hbm>> -> memref<4000xi32, #tpu.memory_space<hbm>>
      tpu.wait_dma2 semaphore(%arg14 : memref<!tpu.dma_semaphore, #tpu.memory_space<semaphore_mem>>) src(%dma_wait3A_62 : memref<4000xi32, #tpu.memory_space<hbm>>) dst(%arg9 : memref<4000xi32, #tpu.memory_space<vmem>>)
      %parallel_loop3A_63 = arith.constant 0 : i32
      %parallel_loop3A_64 = arith.constant 250 : i32
      %parallel_loop3A_65 = arith.constant 1 : i32
      scf.for %parallel_loop3A_67 = %parallel_loop3A_63 to %parallel_loop3A_64 step %parallel_loop3A_65  : i32 {
        %parallel_loop3A_68 = arith.constant 16 : i32
        %parallel_loop3A_69 = arith.muli %parallel_loop3A_67, %parallel_loop3A_68 : i32
        %parallel_loop3A_70 = arith.index_cast %parallel_loop3A_69 : i32 to index
        %parallel_loop3A_71 = tpu.vector_load %arg9[%parallel_loop3A_70] {strides = array<i32>} : memref<4000xi32, #tpu.memory_space<vmem>>, vector<16xi32>,
        %parallel_loop3A_72 = arith.index_cast %parallel_loop3A_69 : i32 to index
        %parallel_loop3A_73 = tpu.vector_load %arg7[%parallel_loop3A_72] {strides = array<i32>} : memref<4000xf32, #tpu.memory_space<vmem>>, vector<16xf32>,
        %parallel_loop3A_74 = math.exp %parallel_loop3A_73 : vector<16xf32>
        tpu.vector_store_idx %arg5[%parallel_loop3A_71], %parallel_loop3A_74 {add = true} : memref<100352xf32, #tpu.memory_space<vmem>>[vector<16xi32>], vector<16xf32>,
      } {sc.loop_unroll_factor = 10 : i64, sc.parallel_access}
      %scan3A_66 = arith.constant 0 : i32
      scf.yield %scan3A_66 : i32
    }
    %scan3A_13 = arith.constant 25 : i32
    %add3A_14 = arith.constant 1 : i32
    %add3A_15 = arith.addi %arg1, %add3A_14 : i32
    %rem3A = arith.constant 16 : i32
    %rem3A_16 = arith.remsi %add3A_15, %rem3A : i32
    %mul3A_17 = arith.constant 6272 : i32
    %mul3A_18 = arith.muli %rem3A_16, %mul3A_17 : i32
    %rem3A_19 = arith.constant 1 : i32
    %rem3A_20 = arith.constant 2 : i32
    %rem3A_21 = arith.remsi %rem3A_19, %rem3A_20 : i32
    "tpu.region"() ({
      %run_scoped3A = tpu.sem_alloc : memref<!tpu.dma_semaphore, #tpu.memory_space<semaphore_mem>>
      %dma_start3A_36 = tpu.memref_slice %arg5[%mul3A_18] : memref<100352xf32, #tpu.memory_space<vmem>> -> memref<6272xf32, #tpu.memory_space<vmem>>
      %dma_start3A_37 = arith.constant 0 : i32
      %dma_start3A_38 = tpu.memref_slice %arg10[%rem3A_21, %rem3A_16, %dma_start3A_37] : memref<2x16x6272xf32, #tpu.memory_space<vmem_shared>> -> memref<1x1x6272xf32, #tpu.memory_space<vmem_shared>>
      %dma_start3A_39 = tpu.memref_squeeze %dma_start3A_38 : memref<1x1x6272xf32, #tpu.memory_space<vmem_shared>> -> memref<6272xf32, #tpu.memory_space<vmem_shared>>
      %dma_start3A_40 = arith.constant 0 : i32
      %dma_start3A_41 = tpu.memref_slice %arg10[%rem3A_21, %rem3A_16, %dma_start3A_40] : memref<2x16x6272xf32, #tpu.memory_space<vmem_shared>> -> memref<1x1x6272xf32, #tpu.memory_space<vmem_shared>>
      %dma_start3A_42 = tpu.memref_squeeze %dma_start3A_41 : memref<1x1x6272xf32, #tpu.memory_space<vmem_shared>> -> memref<6272xf32, #tpu.memory_space<vmem_shared>>
      %dma_start3A_43 = tpu.memref_slice %arg5[%mul3A_18] : memref<100352xf32, #tpu.memory_space<vmem>> -> memref<6272xf32, #tpu.memory_space<vmem>>
      tpu.enqueue_dma source(%dma_start3A_43 : memref<6272xf32, #tpu.memory_space<vmem>>) target(%dma_start3A_42 : memref<6272xf32, #tpu.memory_space<vmem_shared>>) target_semaphore(%run_scoped3A : memref<!tpu.dma_semaphore, #tpu.memory_space<semaphore_mem>>)
      %dma_wait3A = tpu.memref_slice %arg5[%mul3A_18] : memref<100352xf32, #tpu.memory_space<vmem>> -> memref<6272xf32, #tpu.memory_space<vmem>>
      %dma_wait3A_44 = arith.constant 0 : i32
      %dma_wait3A_45 = tpu.memref_slice %arg10[%rem3A_21, %rem3A_16, %dma_wait3A_44] : memref<2x16x6272xf32, #tpu.memory_space<vmem_shared>> -> memref<1x1x6272xf32, #tpu.memory_space<vmem_shared>>
      %dma_wait3A_46 = tpu.memref_squeeze %dma_wait3A_45 : memref<1x1x6272xf32, #tpu.memory_space<vmem_shared>> -> memref<6272xf32, #tpu.memory_space<vmem_shared>>
      %dma_wait3A_47 = arith.constant 0 : i32
      %dma_wait3A_48 = tpu.memref_slice %arg10[%rem3A_21, %rem3A_16, %dma_wait3A_47] : memref<2x16x6272xf32, #tpu.memory_space<vmem_shared>> -> memref<1x1x6272xf32, #tpu.memory_space<vmem_shared>>
      %dma_wait3A_49 = tpu.memref_squeeze %dma_wait3A_48 : memref<1x1x6272xf32, #tpu.memory_space<vmem_shared>> -> memref<6272xf32, #tpu.memory_space<vmem_shared>>
      %dma_wait3A_50 = tpu.memref_slice %arg5[%mul3A_18] : memref<100352xf32, #tpu.memory_space<vmem>> -> memref<6272xf32, #tpu.memory_space<vmem>>
      tpu.wait_dma2 semaphore(%run_scoped3A : memref<!tpu.dma_semaphore, #tpu.memory_space<semaphore_mem>>) src(%dma_wait3A_50 : memref<6272xf32, #tpu.memory_space<vmem>>) dst(%dma_wait3A_49 : memref<6272xf32, #tpu.memory_space<vmem_shared>>)
      tpu.yield
    }) : () -> ()
    %scan3A_22 = arith.constant 0 : i32
    %scan3A_23 = arith.constant 1 : i32
    %scan3A_24 = arith.constant 15 : i32
    %scan3A_25 = arith.addi %scan3A_23, %scan3A_24 : i32
    %scan3A_26 = arith.constant 1 : i32
    %scan3A_27 = scf.for %scan3A_36 = %scan3A_23 to %scan3A_25 step %scan3A_26 iter_args(%scan3A_37 = %scan3A_22) -> (i32)  : i32 {
      %barrier3A = arith.constant 0 : index
      tpu.barrier barrier_id(%barrier3A)
      %rem3A_38 = arith.constant 2 : i32
      %rem3A_39 = arith.remsi %scan3A_36, %rem3A_38 : i32
      %dma_start3A_40 = arith.constant 0 : i32
      %dma_start3A_41 = tpu.memref_slice %arg6[%dma_start3A_40] : memref<4000xf32, #tpu.memory_space<vmem>> -> memref<3200xf32, #tpu.memory_space<vmem>>
      %dma_start3A_42 = arith.constant 0 : i32
      %dma_start3A_43 = tpu.memref_slice %arg10[%rem3A_39, %arg1, %dma_start3A_42] : memref<2x16x6272xf32, #tpu.memory_space<vmem_shared>> -> memref<1x1x3200xf32, #tpu.memory_space<vmem_shared>>
      %dma_start3A_44 = tpu.memref_squeeze %dma_start3A_43 : memref<1x1x3200xf32, #tpu.memory_space<vmem_shared>> -> memref<3200xf32, #tpu.memory_space<vmem_shared>>
      %dma_start3A_45 = arith.constant 0 : i32
      %dma_start3A_46 = tpu.memref_slice %arg6[%dma_start3A_45] : memref<4000xf32, #tpu.memory_space<vmem>> -> memref<3200xf32, #tpu.memory_space<vmem>>
      %dma_start3A_47 = arith.constant 0 : i32
      %dma_start3A_48 = tpu.memref_slice %arg10[%rem3A_39, %arg1, %dma_start3A_47] : memref<2x16x6272xf32, #tpu.memory_space<vmem_shared>> -> memref<1x1x3200xf32, #tpu.memory_space<vmem_shared>>
      %dma_start3A_49 = tpu.memref_squeeze %dma_start3A_48 : memref<1x1x3200xf32, #tpu.memory_space<vmem_shared>> -> memref<3200xf32, #tpu.memory_space<vmem_shared>>
      tpu.enqueue_dma source(%dma_start3A_49 : memref<3200xf32, #tpu.memory_space<vmem_shared>>) target(%dma_start3A_46 : memref<3200xf32, #tpu.memory_space<vmem>>) target_semaphore(%arg11 : memref<!tpu.dma_semaphore, #tpu.memory_space<semaphore_mem>>)
      %dma_start3A_50 = arith.constant 0 : i32
      %dma_start3A_51 = tpu.memref_slice %arg7[%dma_start3A_50] : memref<4000xf32, #tpu.memory_space<vmem>> -> memref<3072xf32, #tpu.memory_space<vmem>>
      %dma_start3A_52 = arith.constant 3200 : i32
      %dma_start3A_53 = tpu.memref_slice %arg10[%rem3A_39, %arg1, %dma_start3A_52] : memref<2x16x6272xf32, #tpu.memory_space<vmem_shared>> -> memref<1x1x3072xf32, #tpu.memory_space<vmem_shared>>
      %dma_start3A_54 = tpu.memref_squeeze %dma_start3A_53 : memref<1x1x3072xf32, #tpu.memory_space<vmem_shared>> -> memref<3072xf32, #tpu.memory_space<vmem_shared>>
      %dma_start3A_55 = arith.constant 0 : i32
      %dma_start3A_56 = tpu.memref_slice %arg7[%dma_start3A_55] : memref<4000xf32, #tpu.memory_space<vmem>> -> memref<3072xf32, #tpu.memory_space<vmem>>
      %dma_start3A_57 = arith.constant 3200 : i32
      %dma_start3A_58 = tpu.memref_slice %arg10[%rem3A_39, %arg1, %dma_start3A_57] : memref<2x16x6272xf32, #tpu.memory_space<vmem_shared>> -> memref<1x1x3072xf32, #tpu.memory_space<vmem_shared>>
      %dma_start3A_59 = tpu.memref_squeeze %dma_start3A_58 : memref<1x1x3072xf32, #tpu.memory_space<vmem_shared>> -> memref<3072xf32, #tpu.memory_space<vmem_shared>>
      tpu.enqueue_dma source(%dma_start3A_59 : memref<3072xf32, #tpu.memory_space<vmem_shared>>) target(%dma_start3A_56 : memref<3072xf32, #tpu.memory_space<vmem>>) target_semaphore(%arg12 : memref<!tpu.dma_semaphore, #tpu.memory_space<semaphore_mem>>)
      %add3A_60 = arith.constant 1 : i32
      %add3A_61 = arith.addi %scan3A_36, %add3A_60 : i32
      %lt3A = arith.constant 16 : i32
      %lt3A_62 = arith.cmpi slt, %add3A_61, %lt3A : i32
      %convert_element_type3A = arith.extui %lt3A_62 : i1 to i32
      %cond3A = arith.constant 0 : i32
      %cond3A_63 = arith.cmpi ne, %convert_element_type3A, %cond3A : i32
      scf.if %cond3A_63 {
        %add3A_90 = arith.constant 1 : i32
        %add3A_91 = arith.addi %scan3A_36, %add3A_90 : i32
        %add3A_92 = arith.addi %arg1, %add3A_91 : i32
        %rem3A_93 = arith.constant 16 : i32
        %rem3A_94 = arith.remsi %add3A_92, %rem3A_93 : i32
        %mul3A_95 = arith.constant 6272 : i32
        %mul3A_96 = arith.muli %rem3A_94, %mul3A_95 : i32
        %rem3A_97 = arith.constant 2 : i32
        %rem3A_98 = arith.remsi %add3A_91, %rem3A_97 : i32
        "tpu.region"() ({
          %run_scoped3A = tpu.sem_alloc : memref<!tpu.dma_semaphore, #tpu.memory_space<semaphore_mem>>
          %dma_start3A_99 = tpu.memref_slice %arg5[%mul3A_96] : memref<100352xf32, #tpu.memory_space<vmem>> -> memref<6272xf32, #tpu.memory_space<vmem>>
          %dma_start3A_100 = arith.constant 0 : i32
          %dma_start3A_101 = tpu.memref_slice %arg10[%rem3A_98, %rem3A_94, %dma_start3A_100] : memref<2x16x6272xf32, #tpu.memory_space<vmem_shared>> -> memref<1x1x6272xf32, #tpu.memory_space<vmem_shared>>
          %dma_start3A_102 = tpu.memref_squeeze %dma_start3A_101 : memref<1x1x6272xf32, #tpu.memory_space<vmem_shared>> -> memref<6272xf32, #tpu.memory_space<vmem_shared>>
          %dma_start3A_103 = arith.constant 0 : i32
          %dma_start3A_104 = tpu.memref_slice %arg10[%rem3A_98, %rem3A_94, %dma_start3A_103] : memref<2x16x6272xf32, #tpu.memory_space<vmem_shared>> -> memref<1x1x6272xf32, #tpu.memory_space<vmem_shared>>
          %dma_start3A_105 = tpu.memref_squeeze %dma_start3A_104 : memref<1x1x6272xf32, #tpu.memory_space<vmem_shared>> -> memref<6272xf32, #tpu.memory_space<vmem_shared>>
          %dma_start3A_106 = tpu.memref_slice %arg5[%mul3A_96] : memref<100352xf32, #tpu.memory_space<vmem>> -> memref<6272xf32, #tpu.memory_space<vmem>>
          tpu.enqueue_dma source(%dma_start3A_106 : memref<6272xf32, #tpu.memory_space<vmem>>) target(%dma_start3A_105 : memref<6272xf32, #tpu.memory_space<vmem_shared>>) target_semaphore(%run_scoped3A : memref<!tpu.dma_semaphore, #tpu.memory_space<semaphore_mem>>)
          %dma_wait3A_107 = tpu.memref_slice %arg5[%mul3A_96] : memref<100352xf32, #tpu.memory_space<vmem>> -> memref<6272xf32, #tpu.memory_space<vmem>>
          %dma_wait3A_108 = arith.constant 0 : i32
          %dma_wait3A_109 = tpu.memref_slice %arg10[%rem3A_98, %rem3A_94, %dma_wait3A_108] : memref<2x16x6272xf32, #tpu.memory_space<vmem_shared>> -> memref<1x1x6272xf32, #tpu.memory_space<vmem_shared>>
          %dma_wait3A_110 = tpu.memref_squeeze %dma_wait3A_109 : memref<1x1x6272xf32, #tpu.memory_space<vmem_shared>> -> memref<6272xf32, #tpu.memory_space<vmem_shared>>
          %dma_wait3A_111 = arith.constant 0 : i32
          %dma_wait3A_112 = tpu.memref_slice %arg10[%rem3A_98, %rem3A_94, %dma_wait3A_111] : memref<2x16x6272xf32, #tpu.memory_space<vmem_shared>> -> memref<1x1x6272xf32, #tpu.memory_space<vmem_shared>>
          %dma_wait3A_113 = tpu.memref_squeeze %dma_wait3A_112 : memref<1x1x6272xf32, #tpu.memory_space<vmem_shared>> -> memref<6272xf32, #tpu.memory_space<vmem_shared>>
          %dma_wait3A_114 = tpu.memref_slice %arg5[%mul3A_96] : memref<100352xf32, #tpu.memory_space<vmem>> -> memref<6272xf32, #tpu.memory_space<vmem>>
          tpu.wait_dma2 semaphore(%run_scoped3A : memref<!tpu.dma_semaphore, #tpu.memory_space<semaphore_mem>>) src(%dma_wait3A_114 : memref<6272xf32, #tpu.memory_space<vmem>>) dst(%dma_wait3A_113 : memref<6272xf32, #tpu.memory_space<vmem_shared>>)
          tpu.yield
        }) : () -> ()
      } else {
      }
      %dma_wait3A = arith.constant 0 : i32
      %dma_wait3A_64 = tpu.memref_slice %arg6[%dma_wait3A] : memref<4000xf32, #tpu.memory_space<vmem>> -> memref<3200xf32, #tpu.memory_space<vmem>>
      %dma_wait3A_65 = arith.constant 0 : i32
      %dma_wait3A_66 = tpu.memref_slice %arg10[%rem3A_39, %arg1, %dma_wait3A_65] : memref<2x16x6272xf32, #tpu.memory_space<vmem_shared>> -> memref<1x1x3200xf32, #tpu.memory_space<vmem_shared>>
      %dma_wait3A_67 = tpu.memref_squeeze %dma_wait3A_66 : memref<1x1x3200xf32, #tpu.memory_space<vmem_shared>> -> memref<3200xf32, #tpu.memory_space<vmem_shared>>
      %dma_wait3A_68 = arith.constant 0 : i32
      %dma_wait3A_69 = tpu.memref_slice %arg6[%dma_wait3A_68] : memref<4000xf32, #tpu.memory_space<vmem>> -> memref<3200xf32, #tpu.memory_space<vmem>>
      %dma_wait3A_70 = arith.constant 0 : i32
      %dma_wait3A_71 = tpu.memref_slice %arg10[%rem3A_39, %arg1, %dma_wait3A_70] : memref<2x16x6272xf32, #tpu.memory_space<vmem_shared>> -> memref<1x1x3200xf32, #tpu.memory_space<vmem_shared>>
      %dma_wait3A_72 = tpu.memref_squeeze %dma_wait3A_71 : memref<1x1x3200xf32, #tpu.memory_space<vmem_shared>> -> memref<3200xf32, #tpu.memory_space<vmem_shared>>
      tpu.wait_dma2 semaphore(%arg11 : memref<!tpu.dma_semaphore, #tpu.memory_space<semaphore_mem>>) src(%dma_wait3A_72 : memref<3200xf32, #tpu.memory_space<vmem_shared>>) dst(%dma_wait3A_69 : memref<3200xf32, #tpu.memory_space<vmem>>)
      %parallel_loop3A_73 = arith.constant 0 : i32
      %parallel_loop3A_74 = arith.constant 200 : i32
      %parallel_loop3A_75 = arith.constant 1 : i32
      scf.for %parallel_loop3A_90 = %parallel_loop3A_73 to %parallel_loop3A_74 step %parallel_loop3A_75  : i32 {
        %parallel_loop3A_91 = arith.constant 6272 : i32
        %parallel_loop3A_92 = arith.muli %arg1, %parallel_loop3A_91 : i32
        %parallel_loop3A_93 = arith.constant 0 : i32
        %parallel_loop3A_94 = arith.addi %parallel_loop3A_92, %parallel_loop3A_93 : i32
        %parallel_loop3A_95 = arith.constant 16 : i32
        %parallel_loop3A_96 = arith.muli %parallel_loop3A_90, %parallel_loop3A_95 : i32
        %parallel_loop3A_97 = arith.addi %parallel_loop3A_94, %parallel_loop3A_96 : i32
        %parallel_loop3A_98 = arith.index_cast %parallel_loop3A_97 : i32 to index
        %parallel_loop3A_99 = tpu.vector_load %arg5[%parallel_loop3A_98] {strides = array<i32>} : memref<100352xf32, #tpu.memory_space<vmem>>, vector<16xf32>,
        %parallel_loop3A_100 = arith.constant 16 : i32
        %parallel_loop3A_101 = arith.muli %parallel_loop3A_90, %parallel_loop3A_100 : i32
        %parallel_loop3A_102 = arith.index_cast %parallel_loop3A_101 : i32 to index
        %parallel_loop3A_103 = tpu.vector_load %arg6[%parallel_loop3A_102] {strides = array<i32>} : memref<4000xf32, #tpu.memory_space<vmem>>, vector<16xf32>,
        %parallel_loop3A_104 = arith.addf %parallel_loop3A_99, %parallel_loop3A_103 : vector<16xf32>
        %parallel_loop3A_105 = arith.index_cast %parallel_loop3A_97 : i32 to index
        %parallel_loop3A_106 = tpu.vector_load %arg5[%parallel_loop3A_105] {strides = array<i32>} : memref<100352xf32, #tpu.memory_space<vmem>>, vector<16xf32>,
        tpu.vector_store %arg5[%parallel_loop3A_105], %parallel_loop3A_104 {strides = array<i32>} : memref<100352xf32, #tpu.memory_space<vmem>>, vector<16xf32>,
      } {sc.loop_unroll_factor = 8 : i64, sc.parallel_access}
      %dma_wait3A_76 = arith.constant 0 : i32
      %dma_wait3A_77 = tpu.memref_slice %arg7[%dma_wait3A_76] : memref<4000xf32, #tpu.memory_space<vmem>> -> memref<3072xf32, #tpu.memory_space<vmem>>
      %dma_wait3A_78 = arith.constant 3200 : i32
      %dma_wait3A_79 = tpu.memref_slice %arg10[%rem3A_39, %arg1, %dma_wait3A_78] : memref<2x16x6272xf32, #tpu.memory_space<vmem_shared>> -> memref<1x1x3072xf32, #tpu.memory_space<vmem_shared>>
      %dma_wait3A_80 = tpu.memref_squeeze %dma_wait3A_79 : memref<1x1x3072xf32, #tpu.memory_space<vmem_shared>> -> memref<3072xf32, #tpu.memory_space<vmem_shared>>
      %dma_wait3A_81 = arith.constant 0 : i32
      %dma_wait3A_82 = tpu.memref_slice %arg7[%dma_wait3A_81] : memref<4000xf32, #tpu.memory_space<vmem>> -> memref<3072xf32, #tpu.memory_space<vmem>>
      %dma_wait3A_83 = arith.constant 3200 : i32
      %dma_wait3A_84 = tpu.memref_slice %arg10[%rem3A_39, %arg1, %dma_wait3A_83] : memref<2x16x6272xf32, #tpu.memory_space<vmem_shared>> -> memref<1x1x3072xf32, #tpu.memory_space<vmem_shared>>
      %dma_wait3A_85 = tpu.memref_squeeze %dma_wait3A_84 : memref<1x1x3072xf32, #tpu.memory_space<vmem_shared>> -> memref<3072xf32, #tpu.memory_space<vmem_shared>>
      tpu.wait_dma2 semaphore(%arg12 : memref<!tpu.dma_semaphore, #tpu.memory_space<semaphore_mem>>) src(%dma_wait3A_85 : memref<3072xf32, #tpu.memory_space<vmem_shared>>) dst(%dma_wait3A_82 : memref<3072xf32, #tpu.memory_space<vmem>>)
      %parallel_loop3A_86 = arith.constant 0 : i32
      %parallel_loop3A_87 = arith.constant 192 : i32
      %parallel_loop3A_88 = arith.constant 1 : i32
      scf.for %parallel_loop3A_90 = %parallel_loop3A_86 to %parallel_loop3A_87 step %parallel_loop3A_88  : i32 {
        %parallel_loop3A_91 = arith.constant 6272 : i32
        %parallel_loop3A_92 = arith.muli %arg1, %parallel_loop3A_91 : i32
        %parallel_loop3A_93 = arith.constant 3200 : i32
        %parallel_loop3A_94 = arith.addi %parallel_loop3A_92, %parallel_loop3A_93 : i32
        %parallel_loop3A_95 = arith.constant 16 : i32
        %parallel_loop3A_96 = arith.muli %parallel_loop3A_90, %parallel_loop3A_95 : i32
        %parallel_loop3A_97 = arith.addi %parallel_loop3A_94, %parallel_loop3A_96 : i32
        %parallel_loop3A_98 = arith.index_cast %parallel_loop3A_97 : i32 to index
        %parallel_loop3A_99 = tpu.vector_load %arg5[%parallel_loop3A_98] {strides = array<i32>} : memref<100352xf32, #tpu.memory_space<vmem>>, vector<16xf32>,
        %parallel_loop3A_100 = arith.constant 16 : i32
        %parallel_loop3A_101 = arith.muli %parallel_loop3A_90, %parallel_loop3A_100 : i32
        %parallel_loop3A_102 = arith.index_cast %parallel_loop3A_101 : i32 to index
        %parallel_loop3A_103 = tpu.vector_load %arg7[%parallel_loop3A_102] {strides = array<i32>} : memref<4000xf32, #tpu.memory_space<vmem>>, vector<16xf32>,
        %parallel_loop3A_104 = arith.addf %parallel_loop3A_99, %parallel_loop3A_103 : vector<16xf32>
        %parallel_loop3A_105 = arith.index_cast %parallel_loop3A_97 : i32 to index
        %parallel_loop3A_106 = tpu.vector_load %arg5[%parallel_loop3A_105] {strides = array<i32>} : memref<100352xf32, #tpu.memory_space<vmem>>, vector<16xf32>,
        tpu.vector_store %arg5[%parallel_loop3A_105], %parallel_loop3A_104 {strides = array<i32>} : memref<100352xf32, #tpu.memory_space<vmem>>, vector<16xf32>,
      } {sc.loop_unroll_factor = 8 : i64, sc.parallel_access}
      %scan3A_89 = arith.constant 0 : i32
      scf.yield %scan3A_89 : i32
    }
    %scan3A_28 = arith.constant 15 : i32
    %mul3A_29 = arith.constant 6272 : i32
    %mul3A_30 = arith.muli %arg1, %mul3A_29 : i32
    %mul3A_31 = arith.constant 100352 : i32
    %mul3A_32 = arith.muli %arg0, %mul3A_31 : i32
    %mul3A_33 = arith.constant 6272 : i32
    %mul3A_34 = arith.muli %arg1, %mul3A_33 : i32
    %add3A_35 = arith.addi %mul3A_32, %mul3A_34 : i32
    "tpu.region"() ({
      %run_scoped3A = tpu.sem_alloc : memref<!tpu.dma_semaphore, #tpu.memory_space<semaphore_mem>>
      %dma_start3A_36 = tpu.memref_slice %arg5[%mul3A_30] : memref<100352xf32, #tpu.memory_space<vmem>> -> memref<6272xf32, #tpu.memory_space<vmem>>
      %dma_start3A_37 = tpu.memref_slice %arg4[%add3A_35] : memref<200704xf32, #tpu.memory_space<hbm>> -> memref<6272xf32, #tpu.memory_space<hbm>>
      %dma_start3A_38 = tpu.memref_slice %arg4[%add3A_35] : memref<200704xf32, #tpu.memory_space<hbm>> -> memref<6272xf32, #tpu.memory_space<hbm>>
      %dma_start3A_39 = tpu.memref_slice %arg5[%mul3A_30] : memref<100352xf32, #tpu.memory_space<vmem>> -> memref<6272xf32, #tpu.memory_space<vmem>>
      tpu.enqueue_dma source(%dma_start3A_39 : memref<6272xf32, #tpu.memory_space<vmem>>) target(%dma_start3A_38 : memref<6272xf32, #tpu.memory_space<hbm>>) target_semaphore(%run_scoped3A : memref<!tpu.dma_semaphore, #tpu.memory_space<semaphore_mem>>)
      %dma_wait3A = tpu.memref_slice %arg5[%mul3A_30] : memref<100352xf32, #tpu.memory_space<vmem>> -> memref<6272xf32, #tpu.memory_space<vmem>>
      %dma_wait3A_40 = tpu.memref_slice %arg4[%add3A_35] : memref<200704xf32, #tpu.memory_space<hbm>> -> memref<6272xf32, #tpu.memory_space<hbm>>
      %dma_wait3A_41 = tpu.memref_slice %arg4[%add3A_35] : memref<200704xf32, #tpu.memory_space<hbm>> -> memref<6272xf32, #tpu.memory_space<hbm>>
      %dma_wait3A_42 = tpu.memref_slice %arg5[%mul3A_30] : memref<100352xf32, #tpu.memory_space<vmem>> -> memref<6272xf32, #tpu.memory_space<vmem>>
      tpu.wait_dma2 semaphore(%run_scoped3A : memref<!tpu.dma_semaphore, #tpu.memory_space<semaphore_mem>>) src(%dma_wait3A_42 : memref<6272xf32, #tpu.memory_space<vmem>>) dst(%dma_wait3A_41 : memref<6272xf32, #tpu.memory_space<hbm>>)
      tpu.yield
    }) : () -> ()
    return
  }
}

#map = affine_map<(d0, d1) -> (0)>
module attributes {stable_mosaic.version = 14 : i64} {
  func.func @_phase2(%arg0: i32, %arg1: i32, %arg2: memref<6400000xf32, #tpu.memory_space<hbm>>, %arg3: memref<6400000xi32, #tpu.memory_space<hbm>>, %arg4: memref<200704xf32, #tpu.memory_space<hbm>>, %arg5: memref<6400000xf32, #tpu.memory_space<hbm>>, %arg6: memref<100352xf32, #tpu.memory_space<vmem>>, %arg7: memref<4000xf32, #tpu.memory_space<vmem>>, %arg8: memref<4000xf32, #tpu.memory_space<vmem>>, %arg9: memref<4000xi32, #tpu.memory_space<vmem>>, %arg10: memref<4000xi32, #tpu.memory_space<vmem>>, %arg11: memref<2000xf32, #tpu.memory_space<vmem>>, %arg12: memref<2000xf32, #tpu.memory_space<vmem>>, %arg13: memref<100352xf32, #tpu.memory_space<vmem_shared>>, %arg14: memref<!tpu.dma_semaphore, #tpu.memory_space<semaphore_mem>>, %arg15: memref<!tpu.dma_semaphore, #tpu.memory_space<semaphore_mem>>, %arg16: memref<!tpu.dma_semaphore, #tpu.memory_space<semaphore_mem>>, %arg17: memref<!tpu.dma_semaphore, #tpu.memory_space<semaphore_mem>>, %arg18: memref<!tpu.dma_semaphore, #tpu.memory_space<semaphore_mem>>, %arg19: memref<!tpu.dma_semaphore, #tpu.memory_space<semaphore_mem>>) attributes {dimension_semantics = [#tpu.dimension_semantics<core_parallel>, #tpu.dimension_semantics<subcore_parallel>], iteration_bounds = array<i64: 2, 16>, scalar_prefetch = 0 : i64, scratch_operands = 14 : i64, tpu.core_type = #tpu.core_type<sc_vector_subcore>, window_params = [{transform_indices = #map}, {transform_indices = #map}, {transform_indices = #map}, {transform_indices = #map}]} {
    %mul3A = arith.constant 16 : i32
    %mul3A_0 = arith.muli %arg0, %mul3A : i32
    %add3A = arith.addi %mul3A_0, %arg1 : i32
    %mul3A_1 = arith.constant 200000 : i32
    %mul3A_2 = arith.muli %add3A, %mul3A_1 : i32
    %dma_start3A = tpu.memref_slice %arg2[%mul3A_2] : memref<6400000xf32, #tpu.memory_space<hbm>> -> memref<4000xf32, #tpu.memory_space<hbm>>
    %dma_start3A_3 = tpu.memref_slice %arg2[%mul3A_2] : memref<6400000xf32, #tpu.memory_space<hbm>> -> memref<4000xf32, #tpu.memory_space<hbm>>
    tpu.enqueue_dma source(%dma_start3A_3 : memref<4000xf32, #tpu.memory_space<hbm>>) target(%arg7 : memref<4000xf32, #tpu.memory_space<vmem>>) target_semaphore(%arg14 : memref<!tpu.dma_semaphore, #tpu.memory_space<semaphore_mem>>)
    %dma_start3A_4 = tpu.memref_slice %arg3[%mul3A_2] : memref<6400000xi32, #tpu.memory_space<hbm>> -> memref<4000xi32, #tpu.memory_space<hbm>>
    %dma_start3A_5 = tpu.memref_slice %arg3[%mul3A_2] : memref<6400000xi32, #tpu.memory_space<hbm>> -> memref<4000xi32, #tpu.memory_space<hbm>>
    tpu.enqueue_dma source(%dma_start3A_5 : memref<4000xi32, #tpu.memory_space<hbm>>) target(%arg9 : memref<4000xi32, #tpu.memory_space<vmem>>) target_semaphore(%arg16 : memref<!tpu.dma_semaphore, #tpu.memory_space<semaphore_mem>>)
    %mul3A_6 = arith.constant 6272 : i32
    %mul3A_7 = arith.muli %arg1, %mul3A_6 : i32
    %add3A_8 = arith.constant 0 : i32
    %add3A_9 = arith.addi %mul3A_7, %add3A_8 : i32
    %mul3A_10 = arith.constant 6272 : i32
    %mul3A_11 = arith.muli %arg1, %mul3A_10 : i32
    %add3A_12 = arith.constant 100352 : i32
    %add3A_13 = arith.addi %add3A_12, %mul3A_11 : i32
    %add3A_14 = arith.constant 0 : i32
    %add3A_15 = arith.addi %add3A_13, %add3A_14 : i32
    %dma_start3A_16 = arith.constant 0 : i32
    %dma_start3A_17 = tpu.memref_slice %arg11[%dma_start3A_16] : memref<2000xf32, #tpu.memory_space<vmem>> -> memref<1920xf32, #tpu.memory_space<vmem>>
    %dma_start3A_18 = tpu.memref_slice %arg4[%add3A_9] : memref<200704xf32, #tpu.memory_space<hbm>> -> memref<1920xf32, #tpu.memory_space<hbm>>
    %dma_start3A_19 = arith.constant 0 : i32
    %dma_start3A_20 = tpu.memref_slice %arg11[%dma_start3A_19] : memref<2000xf32, #tpu.memory_space<vmem>> -> memref<1920xf32, #tpu.memory_space<vmem>>
    %dma_start3A_21 = tpu.memref_slice %arg4[%add3A_9] : memref<200704xf32, #tpu.memory_space<hbm>> -> memref<1920xf32, #tpu.memory_space<hbm>>
    tpu.enqueue_dma source(%dma_start3A_21 : memref<1920xf32, #tpu.memory_space<hbm>>) target(%dma_start3A_20 : memref<1920xf32, #tpu.memory_space<vmem>>) target_semaphore(%arg18 : memref<!tpu.dma_semaphore, #tpu.memory_space<semaphore_mem>>)
    %dma_start3A_22 = arith.constant 0 : i32
    %dma_start3A_23 = tpu.memref_slice %arg12[%dma_start3A_22] : memref<2000xf32, #tpu.memory_space<vmem>> -> memref<1920xf32, #tpu.memory_space<vmem>>
    %dma_start3A_24 = tpu.memref_slice %arg4[%add3A_15] : memref<200704xf32, #tpu.memory_space<hbm>> -> memref<1920xf32, #tpu.memory_space<hbm>>
    %dma_start3A_25 = arith.constant 0 : i32
    %dma_start3A_26 = tpu.memref_slice %arg12[%dma_start3A_25] : memref<2000xf32, #tpu.memory_space<vmem>> -> memref<1920xf32, #tpu.memory_space<vmem>>
    %dma_start3A_27 = tpu.memref_slice %arg4[%add3A_15] : memref<200704xf32, #tpu.memory_space<hbm>> -> memref<1920xf32, #tpu.memory_space<hbm>>
    tpu.enqueue_dma source(%dma_start3A_27 : memref<1920xf32, #tpu.memory_space<hbm>>) target(%dma_start3A_26 : memref<1920xf32, #tpu.memory_space<vmem>>) target_semaphore(%arg19 : memref<!tpu.dma_semaphore, #tpu.memory_space<semaphore_mem>>)
    %dma_wait3A = arith.constant 0 : i32
    %dma_wait3A_28 = tpu.memref_slice %arg11[%dma_wait3A] : memref<2000xf32, #tpu.memory_space<vmem>> -> memref<1920xf32, #tpu.memory_space<vmem>>
    %dma_wait3A_29 = tpu.memref_slice %arg4[%add3A_9] : memref<200704xf32, #tpu.memory_space<hbm>> -> memref<1920xf32, #tpu.memory_space<hbm>>
    %dma_wait3A_30 = arith.constant 0 : i32
    %dma_wait3A_31 = tpu.memref_slice %arg11[%dma_wait3A_30] : memref<2000xf32, #tpu.memory_space<vmem>> -> memref<1920xf32, #tpu.memory_space<vmem>>
    %dma_wait3A_32 = tpu.memref_slice %arg4[%add3A_9] : memref<200704xf32, #tpu.memory_space<hbm>> -> memref<1920xf32, #tpu.memory_space<hbm>>
    tpu.wait_dma2 semaphore(%arg18 : memref<!tpu.dma_semaphore, #tpu.memory_space<semaphore_mem>>) src(%dma_wait3A_32 : memref<1920xf32, #tpu.memory_space<hbm>>) dst(%dma_wait3A_31 : memref<1920xf32, #tpu.memory_space<vmem>>)
    %dma_wait3A_33 = arith.constant 0 : i32
    %dma_wait3A_34 = tpu.memref_slice %arg12[%dma_wait3A_33] : memref<2000xf32, #tpu.memory_space<vmem>> -> memref<1920xf32, #tpu.memory_space<vmem>>
    %dma_wait3A_35 = tpu.memref_slice %arg4[%add3A_15] : memref<200704xf32, #tpu.memory_space<hbm>> -> memref<1920xf32, #tpu.memory_space<hbm>>
    %dma_wait3A_36 = arith.constant 0 : i32
    %dma_wait3A_37 = tpu.memref_slice %arg12[%dma_wait3A_36] : memref<2000xf32, #tpu.memory_space<vmem>> -> memref<1920xf32, #tpu.memory_space<vmem>>
    %dma_wait3A_38 = tpu.memref_slice %arg4[%add3A_15] : memref<200704xf32, #tpu.memory_space<hbm>> -> memref<1920xf32, #tpu.memory_space<hbm>>
    tpu.wait_dma2 semaphore(%arg19 : memref<!tpu.dma_semaphore, #tpu.memory_space<semaphore_mem>>) src(%dma_wait3A_38 : memref<1920xf32, #tpu.memory_space<hbm>>) dst(%dma_wait3A_37 : memref<1920xf32, #tpu.memory_space<vmem>>)
    %parallel_loop3A = arith.constant 0 : i32
    %parallel_loop3A_39 = arith.constant 120 : i32
    %parallel_loop3A_40 = arith.constant 1 : i32
    scf.for %parallel_loop3A_183 = %parallel_loop3A to %parallel_loop3A_39 step %parallel_loop3A_40  : i32 {
      %parallel_loop3A_184 = arith.constant 16 : i32
      %parallel_loop3A_185 = arith.muli %parallel_loop3A_183, %parallel_loop3A_184 : i32
      %parallel_loop3A_186 = arith.index_cast %parallel_loop3A_185 : i32 to index
      %parallel_loop3A_187 = tpu.vector_load %arg11[%parallel_loop3A_186] {strides = array<i32>} : memref<2000xf32, #tpu.memory_space<vmem>>, vector<16xf32>,
      %parallel_loop3A_188 = arith.index_cast %parallel_loop3A_185 : i32 to index
      %parallel_loop3A_189 = tpu.vector_load %arg12[%parallel_loop3A_188] {strides = array<i32>} : memref<2000xf32, #tpu.memory_space<vmem>>, vector<16xf32>,
      %parallel_loop3A_190 = arith.addf %parallel_loop3A_187, %parallel_loop3A_189 : vector<16xf32>
      %parallel_loop3A_191 = arith.index_cast %parallel_loop3A_185 : i32 to index
      %parallel_loop3A_192 = tpu.vector_load %arg11[%parallel_loop3A_191] {strides = array<i32>} : memref<2000xf32, #tpu.memory_space<vmem>>, vector<16xf32>,
      tpu.vector_store %arg11[%parallel_loop3A_191], %parallel_loop3A_190 {strides = array<i32>} : memref<2000xf32, #tpu.memory_space<vmem>>, vector<16xf32>,
    } {sc.loop_unroll_factor = 8 : i64, sc.parallel_access}
    %mul3A_41 = arith.constant 6272 : i32
    %mul3A_42 = arith.muli %arg1, %mul3A_41 : i32
    %add3A_43 = arith.constant 0 : i32
    %add3A_44 = arith.addi %mul3A_42, %add3A_43 : i32
    "tpu.region"() ({
      %run_scoped3A = tpu.sem_alloc : memref<!tpu.dma_semaphore, #tpu.memory_space<semaphore_mem>>
      %dma_start3A_183 = arith.constant 0 : i32
      %dma_start3A_184 = tpu.memref_slice %arg11[%dma_start3A_183] : memref<2000xf32, #tpu.memory_space<vmem>> -> memref<1920xf32, #tpu.memory_space<vmem>>
      %dma_start3A_185 = tpu.memref_slice %arg13[%add3A_44] : memref<100352xf32, #tpu.memory_space<vmem_shared>> -> memref<1920xf32, #tpu.memory_space<vmem_shared>>
      %dma_start3A_186 = tpu.memref_slice %arg13[%add3A_44] : memref<100352xf32, #tpu.memory_space<vmem_shared>> -> memref<1920xf32, #tpu.memory_space<vmem_shared>>
      %dma_start3A_187 = arith.constant 0 : i32
      %dma_start3A_188 = tpu.memref_slice %arg11[%dma_start3A_187] : memref<2000xf32, #tpu.memory_space<vmem>> -> memref<1920xf32, #tpu.memory_space<vmem>>
      tpu.enqueue_dma source(%dma_start3A_188 : memref<1920xf32, #tpu.memory_space<vmem>>) target(%dma_start3A_186 : memref<1920xf32, #tpu.memory_space<vmem_shared>>) target_semaphore(%run_scoped3A : memref<!tpu.dma_semaphore, #tpu.memory_space<semaphore_mem>>)
      %dma_wait3A_189 = arith.constant 0 : i32
      %dma_wait3A_190 = tpu.memref_slice %arg11[%dma_wait3A_189] : memref<2000xf32, #tpu.memory_space<vmem>> -> memref<1920xf32, #tpu.memory_space<vmem>>
      %dma_wait3A_191 = tpu.memref_slice %arg13[%add3A_44] : memref<100352xf32, #tpu.memory_space<vmem_shared>> -> memref<1920xf32, #tpu.memory_space<vmem_shared>>
      %dma_wait3A_192 = tpu.memref_slice %arg13[%add3A_44] : memref<100352xf32, #tpu.memory_space<vmem_shared>> -> memref<1920xf32, #tpu.memory_space<vmem_shared>>
      %dma_wait3A_193 = arith.constant 0 : i32
      %dma_wait3A_194 = tpu.memref_slice %arg11[%dma_wait3A_193] : memref<2000xf32, #tpu.memory_space<vmem>> -> memref<1920xf32, #tpu.memory_space<vmem>>
      tpu.wait_dma2 semaphore(%run_scoped3A : memref<!tpu.dma_semaphore, #tpu.memory_space<semaphore_mem>>) src(%dma_wait3A_194 : memref<1920xf32, #tpu.memory_space<vmem>>) dst(%dma_wait3A_192 : memref<1920xf32, #tpu.memory_space<vmem_shared>>)
      tpu.yield
    }) : () -> ()
    %mul3A_45 = arith.constant 6272 : i32
    %mul3A_46 = arith.muli %arg1, %mul3A_45 : i32
    %add3A_47 = arith.constant 1920 : i32
    %add3A_48 = arith.addi %mul3A_46, %add3A_47 : i32
    %mul3A_49 = arith.constant 6272 : i32
    %mul3A_50 = arith.muli %arg1, %mul3A_49 : i32
    %add3A_51 = arith.constant 100352 : i32
    %add3A_52 = arith.addi %add3A_51, %mul3A_50 : i32
    %add3A_53 = arith.constant 1920 : i32
    %add3A_54 = arith.addi %add3A_52, %add3A_53 : i32
    %dma_start3A_55 = arith.constant 0 : i32
    %dma_start3A_56 = tpu.memref_slice %arg11[%dma_start3A_55] : memref<2000xf32, #tpu.memory_space<vmem>> -> memref<1920xf32, #tpu.memory_space<vmem>>
    %dma_start3A_57 = tpu.memref_slice %arg4[%add3A_48] : memref<200704xf32, #tpu.memory_space<hbm>> -> memref<1920xf32, #tpu.memory_space<hbm>>
    %dma_start3A_58 = arith.constant 0 : i32
    %dma_start3A_59 = tpu.memref_slice %arg11[%dma_start3A_58] : memref<2000xf32, #tpu.memory_space<vmem>> -> memref<1920xf32, #tpu.memory_space<vmem>>
    %dma_start3A_60 = tpu.memref_slice %arg4[%add3A_48] : memref<200704xf32, #tpu.memory_space<hbm>> -> memref<1920xf32, #tpu.memory_space<hbm>>
    tpu.enqueue_dma source(%dma_start3A_60 : memref<1920xf32, #tpu.memory_space<hbm>>) target(%dma_start3A_59 : memref<1920xf32, #tpu.memory_space<vmem>>) target_semaphore(%arg18 : memref<!tpu.dma_semaphore, #tpu.memory_space<semaphore_mem>>)
    %dma_start3A_61 = arith.constant 0 : i32
    %dma_start3A_62 = tpu.memref_slice %arg12[%dma_start3A_61] : memref<2000xf32, #tpu.memory_space<vmem>> -> memref<1920xf32, #tpu.memory_space<vmem>>
    %dma_start3A_63 = tpu.memref_slice %arg4[%add3A_54] : memref<200704xf32, #tpu.memory_space<hbm>> -> memref<1920xf32, #tpu.memory_space<hbm>>
    %dma_start3A_64 = arith.constant 0 : i32
    %dma_start3A_65 = tpu.memref_slice %arg12[%dma_start3A_64] : memref<2000xf32, #tpu.memory_space<vmem>> -> memref<1920xf32, #tpu.memory_space<vmem>>
    %dma_start3A_66 = tpu.memref_slice %arg4[%add3A_54] : memref<200704xf32, #tpu.memory_space<hbm>> -> memref<1920xf32, #tpu.memory_space<hbm>>
    tpu.enqueue_dma source(%dma_start3A_66 : memref<1920xf32, #tpu.memory_space<hbm>>) target(%dma_start3A_65 : memref<1920xf32, #tpu.memory_space<vmem>>) target_semaphore(%arg19 : memref<!tpu.dma_semaphore, #tpu.memory_space<semaphore_mem>>)
    %dma_wait3A_67 = arith.constant 0 : i32
    %dma_wait3A_68 = tpu.memref_slice %arg11[%dma_wait3A_67] : memref<2000xf32, #tpu.memory_space<vmem>> -> memref<1920xf32, #tpu.memory_space<vmem>>
    %dma_wait3A_69 = tpu.memref_slice %arg4[%add3A_48] : memref<200704xf32, #tpu.memory_space<hbm>> -> memref<1920xf32, #tpu.memory_space<hbm>>
    %dma_wait3A_70 = arith.constant 0 : i32
    %dma_wait3A_71 = tpu.memref_slice %arg11[%dma_wait3A_70] : memref<2000xf32, #tpu.memory_space<vmem>> -> memref<1920xf32, #tpu.memory_space<vmem>>
    %dma_wait3A_72 = tpu.memref_slice %arg4[%add3A_48] : memref<200704xf32, #tpu.memory_space<hbm>> -> memref<1920xf32, #tpu.memory_space<hbm>>
    tpu.wait_dma2 semaphore(%arg18 : memref<!tpu.dma_semaphore, #tpu.memory_space<semaphore_mem>>) src(%dma_wait3A_72 : memref<1920xf32, #tpu.memory_space<hbm>>) dst(%dma_wait3A_71 : memref<1920xf32, #tpu.memory_space<vmem>>)
    %dma_wait3A_73 = arith.constant 0 : i32
    %dma_wait3A_74 = tpu.memref_slice %arg12[%dma_wait3A_73] : memref<2000xf32, #tpu.memory_space<vmem>> -> memref<1920xf32, #tpu.memory_space<vmem>>
    %dma_wait3A_75 = tpu.memref_slice %arg4[%add3A_54] : memref<200704xf32, #tpu.memory_space<hbm>> -> memref<1920xf32, #tpu.memory_space<hbm>>
    %dma_wait3A_76 = arith.constant 0 : i32
    %dma_wait3A_77 = tpu.memref_slice %arg12[%dma_wait3A_76] : memref<2000xf32, #tpu.memory_space<vmem>> -> memref<1920xf32, #tpu.memory_space<vmem>>
    %dma_wait3A_78 = tpu.memref_slice %arg4[%add3A_54] : memref<200704xf32, #tpu.memory_space<hbm>> -> memref<1920xf32, #tpu.memory_space<hbm>>
    tpu.wait_dma2 semaphore(%arg19 : memref<!tpu.dma_semaphore, #tpu.memory_space<semaphore_mem>>) src(%dma_wait3A_78 : memref<1920xf32, #tpu.memory_space<hbm>>) dst(%dma_wait3A_77 : memref<1920xf32, #tpu.memory_space<vmem>>)
    %parallel_loop3A_79 = arith.constant 0 : i32
    %parallel_loop3A_80 = arith.constant 120 : i32
    %parallel_loop3A_81 = arith.constant 1 : i32
    scf.for %parallel_loop3A_183 = %parallel_loop3A_79 to %parallel_loop3A_80 step %parallel_loop3A_81  : i32 {
      %parallel_loop3A_184 = arith.constant 16 : i32
      %parallel_loop3A_185 = arith.muli %parallel_loop3A_183, %parallel_loop3A_184 : i32
      %parallel_loop3A_186 = arith.index_cast %parallel_loop3A_185 : i32 to index
      %parallel_loop3A_187 = tpu.vector_load %arg11[%parallel_loop3A_186] {strides = array<i32>} : memref<2000xf32, #tpu.memory_space<vmem>>, vector<16xf32>,
      %parallel_loop3A_188 = arith.index_cast %parallel_loop3A_185 : i32 to index
      %parallel_loop3A_189 = tpu.vector_load %arg12[%parallel_loop3A_188] {strides = array<i32>} : memref<2000xf32, #tpu.memory_space<vmem>>, vector<16xf32>,
      %parallel_loop3A_190 = arith.addf %parallel_loop3A_187, %parallel_loop3A_189 : vector<16xf32>
      %parallel_loop3A_191 = arith.index_cast %parallel_loop3A_185 : i32 to index
      %parallel_loop3A_192 = tpu.vector_load %arg11[%parallel_loop3A_191] {strides = array<i32>} : memref<2000xf32, #tpu.memory_space<vmem>>, vector<16xf32>,
      tpu.vector_store %arg11[%parallel_loop3A_191], %parallel_loop3A_190 {strides = array<i32>} : memref<2000xf32, #tpu.memory_space<vmem>>, vector<16xf32>,
    } {sc.loop_unroll_factor = 8 : i64, sc.parallel_access}
    %mul3A_82 = arith.constant 6272 : i32
    %mul3A_83 = arith.muli %arg1, %mul3A_82 : i32
    %add3A_84 = arith.constant 1920 : i32
    %add3A_85 = arith.addi %mul3A_83, %add3A_84 : i32
    "tpu.region"() ({
      %run_scoped3A = tpu.sem_alloc : memref<!tpu.dma_semaphore, #tpu.memory_space<semaphore_mem>>
      %dma_start3A_183 = arith.constant 0 : i32
      %dma_start3A_184 = tpu.memref_slice %arg11[%dma_start3A_183] : memref<2000xf32, #tpu.memory_space<vmem>> -> memref<1920xf32, #tpu.memory_space<vmem>>
      %dma_start3A_185 = tpu.memref_slice %arg13[%add3A_85] : memref<100352xf32, #tpu.memory_space<vmem_shared>> -> memref<1920xf32, #tpu.memory_space<vmem_shared>>
      %dma_start3A_186 = tpu.memref_slice %arg13[%add3A_85] : memref<100352xf32, #tpu.memory_space<vmem_shared>> -> memref<1920xf32, #tpu.memory_space<vmem_shared>>
      %dma_start3A_187 = arith.constant 0 : i32
      %dma_start3A_188 = tpu.memref_slice %arg11[%dma_start3A_187] : memref<2000xf32, #tpu.memory_space<vmem>> -> memref<1920xf32, #tpu.memory_space<vmem>>
      tpu.enqueue_dma source(%dma_start3A_188 : memref<1920xf32, #tpu.memory_space<vmem>>) target(%dma_start3A_186 : memref<1920xf32, #tpu.memory_space<vmem_shared>>) target_semaphore(%run_scoped3A : memref<!tpu.dma_semaphore, #tpu.memory_space<semaphore_mem>>)
      %dma_wait3A_189 = arith.constant 0 : i32
      %dma_wait3A_190 = tpu.memref_slice %arg11[%dma_wait3A_189] : memref<2000xf32, #tpu.memory_space<vmem>> -> memref<1920xf32, #tpu.memory_space<vmem>>
      %dma_wait3A_191 = tpu.memref_slice %arg13[%add3A_85] : memref<100352xf32, #tpu.memory_space<vmem_shared>> -> memref<1920xf32, #tpu.memory_space<vmem_shared>>
      %dma_wait3A_192 = tpu.memref_slice %arg13[%add3A_85] : memref<100352xf32, #tpu.memory_space<vmem_shared>> -> memref<1920xf32, #tpu.memory_space<vmem_shared>>
      %dma_wait3A_193 = arith.constant 0 : i32
      %dma_wait3A_194 = tpu.memref_slice %arg11[%dma_wait3A_193] : memref<2000xf32, #tpu.memory_space<vmem>> -> memref<1920xf32, #tpu.memory_space<vmem>>
      tpu.wait_dma2 semaphore(%run_scoped3A : memref<!tpu.dma_semaphore, #tpu.memory_space<semaphore_mem>>) src(%dma_wait3A_194 : memref<1920xf32, #tpu.memory_space<vmem>>) dst(%dma_wait3A_192 : memref<1920xf32, #tpu.memory_space<vmem_shared>>)
      tpu.yield
    }) : () -> ()
    %mul3A_86 = arith.constant 6272 : i32
    %mul3A_87 = arith.muli %arg1, %mul3A_86 : i32
    %add3A_88 = arith.constant 3840 : i32
    %add3A_89 = arith.addi %mul3A_87, %add3A_88 : i32
    %mul3A_90 = arith.constant 6272 : i32
    %mul3A_91 = arith.muli %arg1, %mul3A_90 : i32
    %add3A_92 = arith.constant 100352 : i32
    %add3A_93 = arith.addi %add3A_92, %mul3A_91 : i32
    %add3A_94 = arith.constant 3840 : i32
    %add3A_95 = arith.addi %add3A_93, %add3A_94 : i32
    %dma_start3A_96 = arith.constant 0 : i32
    %dma_start3A_97 = tpu.memref_slice %arg11[%dma_start3A_96] : memref<2000xf32, #tpu.memory_space<vmem>> -> memref<1920xf32, #tpu.memory_space<vmem>>
    %dma_start3A_98 = tpu.memref_slice %arg4[%add3A_89] : memref<200704xf32, #tpu.memory_space<hbm>> -> memref<1920xf32, #tpu.memory_space<hbm>>
    %dma_start3A_99 = arith.constant 0 : i32
    %dma_start3A_100 = tpu.memref_slice %arg11[%dma_start3A_99] : memref<2000xf32, #tpu.memory_space<vmem>> -> memref<1920xf32, #tpu.memory_space<vmem>>
    %dma_start3A_101 = tpu.memref_slice %arg4[%add3A_89] : memref<200704xf32, #tpu.memory_space<hbm>> -> memref<1920xf32, #tpu.memory_space<hbm>>
    tpu.enqueue_dma source(%dma_start3A_101 : memref<1920xf32, #tpu.memory_space<hbm>>) target(%dma_start3A_100 : memref<1920xf32, #tpu.memory_space<vmem>>) target_semaphore(%arg18 : memref<!tpu.dma_semaphore, #tpu.memory_space<semaphore_mem>>)
    %dma_start3A_102 = arith.constant 0 : i32
    %dma_start3A_103 = tpu.memref_slice %arg12[%dma_start3A_102] : memref<2000xf32, #tpu.memory_space<vmem>> -> memref<1920xf32, #tpu.memory_space<vmem>>
    %dma_start3A_104 = tpu.memref_slice %arg4[%add3A_95] : memref<200704xf32, #tpu.memory_space<hbm>> -> memref<1920xf32, #tpu.memory_space<hbm>>
    %dma_start3A_105 = arith.constant 0 : i32
    %dma_start3A_106 = tpu.memref_slice %arg12[%dma_start3A_105] : memref<2000xf32, #tpu.memory_space<vmem>> -> memref<1920xf32, #tpu.memory_space<vmem>>
    %dma_start3A_107 = tpu.memref_slice %arg4[%add3A_95] : memref<200704xf32, #tpu.memory_space<hbm>> -> memref<1920xf32, #tpu.memory_space<hbm>>
    tpu.enqueue_dma source(%dma_start3A_107 : memref<1920xf32, #tpu.memory_space<hbm>>) target(%dma_start3A_106 : memref<1920xf32, #tpu.memory_space<vmem>>) target_semaphore(%arg19 : memref<!tpu.dma_semaphore, #tpu.memory_space<semaphore_mem>>)
    %dma_wait3A_108 = arith.constant 0 : i32
    %dma_wait3A_109 = tpu.memref_slice %arg11[%dma_wait3A_108] : memref<2000xf32, #tpu.memory_space<vmem>> -> memref<1920xf32, #tpu.memory_space<vmem>>
    %dma_wait3A_110 = tpu.memref_slice %arg4[%add3A_89] : memref<200704xf32, #tpu.memory_space<hbm>> -> memref<1920xf32, #tpu.memory_space<hbm>>
    %dma_wait3A_111 = arith.constant 0 : i32
    %dma_wait3A_112 = tpu.memref_slice %arg11[%dma_wait3A_111] : memref<2000xf32, #tpu.memory_space<vmem>> -> memref<1920xf32, #tpu.memory_space<vmem>>
    %dma_wait3A_113 = tpu.memref_slice %arg4[%add3A_89] : memref<200704xf32, #tpu.memory_space<hbm>> -> memref<1920xf32, #tpu.memory_space<hbm>>
    tpu.wait_dma2 semaphore(%arg18 : memref<!tpu.dma_semaphore, #tpu.memory_space<semaphore_mem>>) src(%dma_wait3A_113 : memref<1920xf32, #tpu.memory_space<hbm>>) dst(%dma_wait3A_112 : memref<1920xf32, #tpu.memory_space<vmem>>)
    %dma_wait3A_114 = arith.constant 0 : i32
    %dma_wait3A_115 = tpu.memref_slice %arg12[%dma_wait3A_114] : memref<2000xf32, #tpu.memory_space<vmem>> -> memref<1920xf32, #tpu.memory_space<vmem>>
    %dma_wait3A_116 = tpu.memref_slice %arg4[%add3A_95] : memref<200704xf32, #tpu.memory_space<hbm>> -> memref<1920xf32, #tpu.memory_space<hbm>>
    %dma_wait3A_117 = arith.constant 0 : i32
    %dma_wait3A_118 = tpu.memref_slice %arg12[%dma_wait3A_117] : memref<2000xf32, #tpu.memory_space<vmem>> -> memref<1920xf32, #tpu.memory_space<vmem>>
    %dma_wait3A_119 = tpu.memref_slice %arg4[%add3A_95] : memref<200704xf32, #tpu.memory_space<hbm>> -> memref<1920xf32, #tpu.memory_space<hbm>>
    tpu.wait_dma2 semaphore(%arg19 : memref<!tpu.dma_semaphore, #tpu.memory_space<semaphore_mem>>) src(%dma_wait3A_119 : memref<1920xf32, #tpu.memory_space<hbm>>) dst(%dma_wait3A_118 : memref<1920xf32, #tpu.memory_space<vmem>>)
    %parallel_loop3A_120 = arith.constant 0 : i32
    %parallel_loop3A_121 = arith.constant 120 : i32
    %parallel_loop3A_122 = arith.constant 1 : i32
    scf.for %parallel_loop3A_183 = %parallel_loop3A_120 to %parallel_loop3A_121 step %parallel_loop3A_122  : i32 {
      %parallel_loop3A_184 = arith.constant 16 : i32
      %parallel_loop3A_185 = arith.muli %parallel_loop3A_183, %parallel_loop3A_184 : i32
      %parallel_loop3A_186 = arith.index_cast %parallel_loop3A_185 : i32 to index
      %parallel_loop3A_187 = tpu.vector_load %arg11[%parallel_loop3A_186] {strides = array<i32>} : memref<2000xf32, #tpu.memory_space<vmem>>, vector<16xf32>,
      %parallel_loop3A_188 = arith.index_cast %parallel_loop3A_185 : i32 to index
      %parallel_loop3A_189 = tpu.vector_load %arg12[%parallel_loop3A_188] {strides = array<i32>} : memref<2000xf32, #tpu.memory_space<vmem>>, vector<16xf32>,
      %parallel_loop3A_190 = arith.addf %parallel_loop3A_187, %parallel_loop3A_189 : vector<16xf32>
      %parallel_loop3A_191 = arith.index_cast %parallel_loop3A_185 : i32 to index
      %parallel_loop3A_192 = tpu.vector_load %arg11[%parallel_loop3A_191] {strides = array<i32>} : memref<2000xf32, #tpu.memory_space<vmem>>, vector<16xf32>,
      tpu.vector_store %arg11[%parallel_loop3A_191], %parallel_loop3A_190 {strides = array<i32>} : memref<2000xf32, #tpu.memory_space<vmem>>, vector<16xf32>,
    } {sc.loop_unroll_factor = 8 : i64, sc.parallel_access}
    %mul3A_123 = arith.constant 6272 : i32
    %mul3A_124 = arith.muli %arg1, %mul3A_123 : i32
    %add3A_125 = arith.constant 3840 : i32
    %add3A_126 = arith.addi %mul3A_124, %add3A_125 : i32
    "tpu.region"() ({
      %run_scoped3A = tpu.sem_alloc : memref<!tpu.dma_semaphore, #tpu.memory_space<semaphore_mem>>
      %dma_start3A_183 = arith.constant 0 : i32
      %dma_start3A_184 = tpu.memref_slice %arg11[%dma_start3A_183] : memref<2000xf32, #tpu.memory_space<vmem>> -> memref<1920xf32, #tpu.memory_space<vmem>>
      %dma_start3A_185 = tpu.memref_slice %arg13[%add3A_126] : memref<100352xf32, #tpu.memory_space<vmem_shared>> -> memref<1920xf32, #tpu.memory_space<vmem_shared>>
      %dma_start3A_186 = tpu.memref_slice %arg13[%add3A_126] : memref<100352xf32, #tpu.memory_space<vmem_shared>> -> memref<1920xf32, #tpu.memory_space<vmem_shared>>
      %dma_start3A_187 = arith.constant 0 : i32
      %dma_start3A_188 = tpu.memref_slice %arg11[%dma_start3A_187] : memref<2000xf32, #tpu.memory_space<vmem>> -> memref<1920xf32, #tpu.memory_space<vmem>>
      tpu.enqueue_dma source(%dma_start3A_188 : memref<1920xf32, #tpu.memory_space<vmem>>) target(%dma_start3A_186 : memref<1920xf32, #tpu.memory_space<vmem_shared>>) target_semaphore(%run_scoped3A : memref<!tpu.dma_semaphore, #tpu.memory_space<semaphore_mem>>)
      %dma_wait3A_189 = arith.constant 0 : i32
      %dma_wait3A_190 = tpu.memref_slice %arg11[%dma_wait3A_189] : memref<2000xf32, #tpu.memory_space<vmem>> -> memref<1920xf32, #tpu.memory_space<vmem>>
      %dma_wait3A_191 = tpu.memref_slice %arg13[%add3A_126] : memref<100352xf32, #tpu.memory_space<vmem_shared>> -> memref<1920xf32, #tpu.memory_space<vmem_shared>>
      %dma_wait3A_192 = tpu.memref_slice %arg13[%add3A_126] : memref<100352xf32, #tpu.memory_space<vmem_shared>> -> memref<1920xf32, #tpu.memory_space<vmem_shared>>
      %dma_wait3A_193 = arith.constant 0 : i32
      %dma_wait3A_194 = tpu.memref_slice %arg11[%dma_wait3A_193] : memref<2000xf32, #tpu.memory_space<vmem>> -> memref<1920xf32, #tpu.memory_space<vmem>>
      tpu.wait_dma2 semaphore(%run_scoped3A : memref<!tpu.dma_semaphore, #tpu.memory_space<semaphore_mem>>) src(%dma_wait3A_194 : memref<1920xf32, #tpu.memory_space<vmem>>) dst(%dma_wait3A_192 : memref<1920xf32, #tpu.memory_space<vmem_shared>>)
      tpu.yield
    }) : () -> ()
    %mul3A_127 = arith.constant 6272 : i32
    %mul3A_128 = arith.muli %arg1, %mul3A_127 : i32
    %add3A_129 = arith.constant 5760 : i32
    %add3A_130 = arith.addi %mul3A_128, %add3A_129 : i32
    %mul3A_131 = arith.constant 6272 : i32
    %mul3A_132 = arith.muli %arg1, %mul3A_131 : i32
    %add3A_133 = arith.constant 100352 : i32
    %add3A_134 = arith.addi %add3A_133, %mul3A_132 : i32
    %add3A_135 = arith.constant 5760 : i32
    %add3A_136 = arith.addi %add3A_134, %add3A_135 : i32
    %dma_start3A_137 = arith.constant 0 : i32
    %dma_start3A_138 = tpu.memref_slice %arg11[%dma_start3A_137] : memref<2000xf32, #tpu.memory_space<vmem>> -> memref<512xf32, #tpu.memory_space<vmem>>
    %dma_start3A_139 = tpu.memref_slice %arg4[%add3A_130] : memref<200704xf32, #tpu.memory_space<hbm>> -> memref<512xf32, #tpu.memory_space<hbm>>
    %dma_start3A_140 = arith.constant 0 : i32
    %dma_start3A_141 = tpu.memref_slice %arg11[%dma_start3A_140] : memref<2000xf32, #tpu.memory_space<vmem>> -> memref<512xf32, #tpu.memory_space<vmem>>
    %dma_start3A_142 = tpu.memref_slice %arg4[%add3A_130] : memref<200704xf32, #tpu.memory_space<hbm>> -> memref<512xf32, #tpu.memory_space<hbm>>
    tpu.enqueue_dma source(%dma_start3A_142 : memref<512xf32, #tpu.memory_space<hbm>>) target(%dma_start3A_141 : memref<512xf32, #tpu.memory_space<vmem>>) target_semaphore(%arg18 : memref<!tpu.dma_semaphore, #tpu.memory_space<semaphore_mem>>)
    %dma_start3A_143 = arith.constant 0 : i32
    %dma_start3A_144 = tpu.memref_slice %arg12[%dma_start3A_143] : memref<2000xf32, #tpu.memory_space<vmem>> -> memref<512xf32, #tpu.memory_space<vmem>>
    %dma_start3A_145 = tpu.memref_slice %arg4[%add3A_136] : memref<200704xf32, #tpu.memory_space<hbm>> -> memref<512xf32, #tpu.memory_space<hbm>>
    %dma_start3A_146 = arith.constant 0 : i32
    %dma_start3A_147 = tpu.memref_slice %arg12[%dma_start3A_146] : memref<2000xf32, #tpu.memory_space<vmem>> -> memref<512xf32, #tpu.memory_space<vmem>>
    %dma_start3A_148 = tpu.memref_slice %arg4[%add3A_136] : memref<200704xf32, #tpu.memory_space<hbm>> -> memref<512xf32, #tpu.memory_space<hbm>>
    tpu.enqueue_dma source(%dma_start3A_148 : memref<512xf32, #tpu.memory_space<hbm>>) target(%dma_start3A_147 : memref<512xf32, #tpu.memory_space<vmem>>) target_semaphore(%arg19 : memref<!tpu.dma_semaphore, #tpu.memory_space<semaphore_mem>>)
    %dma_wait3A_149 = arith.constant 0 : i32
    %dma_wait3A_150 = tpu.memref_slice %arg11[%dma_wait3A_149] : memref<2000xf32, #tpu.memory_space<vmem>> -> memref<512xf32, #tpu.memory_space<vmem>>
    %dma_wait3A_151 = tpu.memref_slice %arg4[%add3A_130] : memref<200704xf32, #tpu.memory_space<hbm>> -> memref<512xf32, #tpu.memory_space<hbm>>
    %dma_wait3A_152 = arith.constant 0 : i32
    %dma_wait3A_153 = tpu.memref_slice %arg11[%dma_wait3A_152] : memref<2000xf32, #tpu.memory_space<vmem>> -> memref<512xf32, #tpu.memory_space<vmem>>
    %dma_wait3A_154 = tpu.memref_slice %arg4[%add3A_130] : memref<200704xf32, #tpu.memory_space<hbm>> -> memref<512xf32, #tpu.memory_space<hbm>>
    tpu.wait_dma2 semaphore(%arg18 : memref<!tpu.dma_semaphore, #tpu.memory_space<semaphore_mem>>) src(%dma_wait3A_154 : memref<512xf32, #tpu.memory_space<hbm>>) dst(%dma_wait3A_153 : memref<512xf32, #tpu.memory_space<vmem>>)
    %dma_wait3A_155 = arith.constant 0 : i32
    %dma_wait3A_156 = tpu.memref_slice %arg12[%dma_wait3A_155] : memref<2000xf32, #tpu.memory_space<vmem>> -> memref<512xf32, #tpu.memory_space<vmem>>
    %dma_wait3A_157 = tpu.memref_slice %arg4[%add3A_136] : memref<200704xf32, #tpu.memory_space<hbm>> -> memref<512xf32, #tpu.memory_space<hbm>>
    %dma_wait3A_158 = arith.constant 0 : i32
    %dma_wait3A_159 = tpu.memref_slice %arg12[%dma_wait3A_158] : memref<2000xf32, #tpu.memory_space<vmem>> -> memref<512xf32, #tpu.memory_space<vmem>>
    %dma_wait3A_160 = tpu.memref_slice %arg4[%add3A_136] : memref<200704xf32, #tpu.memory_space<hbm>> -> memref<512xf32, #tpu.memory_space<hbm>>
    tpu.wait_dma2 semaphore(%arg19 : memref<!tpu.dma_semaphore, #tpu.memory_space<semaphore_mem>>) src(%dma_wait3A_160 : memref<512xf32, #tpu.memory_space<hbm>>) dst(%dma_wait3A_159 : memref<512xf32, #tpu.memory_space<vmem>>)
    %parallel_loop3A_161 = arith.constant 0 : i32
    %parallel_loop3A_162 = arith.constant 32 : i32
    %parallel_loop3A_163 = arith.constant 1 : i32
    scf.for %parallel_loop3A_183 = %parallel_loop3A_161 to %parallel_loop3A_162 step %parallel_loop3A_163  : i32 {
      %parallel_loop3A_184 = arith.constant 16 : i32
      %parallel_loop3A_185 = arith.muli %parallel_loop3A_183, %parallel_loop3A_184 : i32
      %parallel_loop3A_186 = arith.index_cast %parallel_loop3A_185 : i32 to index
      %parallel_loop3A_187 = tpu.vector_load %arg11[%parallel_loop3A_186] {strides = array<i32>} : memref<2000xf32, #tpu.memory_space<vmem>>, vector<16xf32>,
      %parallel_loop3A_188 = arith.index_cast %parallel_loop3A_185 : i32 to index
      %parallel_loop3A_189 = tpu.vector_load %arg12[%parallel_loop3A_188] {strides = array<i32>} : memref<2000xf32, #tpu.memory_space<vmem>>, vector<16xf32>,
      %parallel_loop3A_190 = arith.addf %parallel_loop3A_187, %parallel_loop3A_189 : vector<16xf32>
      %parallel_loop3A_191 = arith.index_cast %parallel_loop3A_185 : i32 to index
      %parallel_loop3A_192 = tpu.vector_load %arg11[%parallel_loop3A_191] {strides = array<i32>} : memref<2000xf32, #tpu.memory_space<vmem>>, vector<16xf32>,
      tpu.vector_store %arg11[%parallel_loop3A_191], %parallel_loop3A_190 {strides = array<i32>} : memref<2000xf32, #tpu.memory_space<vmem>>, vector<16xf32>,
    } {sc.loop_unroll_factor = 8 : i64, sc.parallel_access}
    %mul3A_164 = arith.constant 6272 : i32
    %mul3A_165 = arith.muli %arg1, %mul3A_164 : i32
    %add3A_166 = arith.constant 5760 : i32
    %add3A_167 = arith.addi %mul3A_165, %add3A_166 : i32
    "tpu.region"() ({
      %run_scoped3A = tpu.sem_alloc : memref<!tpu.dma_semaphore, #tpu.memory_space<semaphore_mem>>
      %dma_start3A_183 = arith.constant 0 : i32
      %dma_start3A_184 = tpu.memref_slice %arg11[%dma_start3A_183] : memref<2000xf32, #tpu.memory_space<vmem>> -> memref<512xf32, #tpu.memory_space<vmem>>
      %dma_start3A_185 = tpu.memref_slice %arg13[%add3A_167] : memref<100352xf32, #tpu.memory_space<vmem_shared>> -> memref<512xf32, #tpu.memory_space<vmem_shared>>
      %dma_start3A_186 = tpu.memref_slice %arg13[%add3A_167] : memref<100352xf32, #tpu.memory_space<vmem_shared>> -> memref<512xf32, #tpu.memory_space<vmem_shared>>
      %dma_start3A_187 = arith.constant 0 : i32
      %dma_start3A_188 = tpu.memref_slice %arg11[%dma_start3A_187] : memref<2000xf32, #tpu.memory_space<vmem>> -> memref<512xf32, #tpu.memory_space<vmem>>
      tpu.enqueue_dma source(%dma_start3A_188 : memref<512xf32, #tpu.memory_space<vmem>>) target(%dma_start3A_186 : memref<512xf32, #tpu.memory_space<vmem_shared>>) target_semaphore(%run_scoped3A : memref<!tpu.dma_semaphore, #tpu.memory_space<semaphore_mem>>)
      %dma_wait3A_189 = arith.constant 0 : i32
      %dma_wait3A_190 = tpu.memref_slice %arg11[%dma_wait3A_189] : memref<2000xf32, #tpu.memory_space<vmem>> -> memref<512xf32, #tpu.memory_space<vmem>>
      %dma_wait3A_191 = tpu.memref_slice %arg13[%add3A_167] : memref<100352xf32, #tpu.memory_space<vmem_shared>> -> memref<512xf32, #tpu.memory_space<vmem_shared>>
      %dma_wait3A_192 = tpu.memref_slice %arg13[%add3A_167] : memref<100352xf32, #tpu.memory_space<vmem_shared>> -> memref<512xf32, #tpu.memory_space<vmem_shared>>
      %dma_wait3A_193 = arith.constant 0 : i32
      %dma_wait3A_194 = tpu.memref_slice %arg11[%dma_wait3A_193] : memref<2000xf32, #tpu.memory_space<vmem>> -> memref<512xf32, #tpu.memory_space<vmem>>
      tpu.wait_dma2 semaphore(%run_scoped3A : memref<!tpu.dma_semaphore, #tpu.memory_space<semaphore_mem>>) src(%dma_wait3A_194 : memref<512xf32, #tpu.memory_space<vmem>>) dst(%dma_wait3A_192 : memref<512xf32, #tpu.memory_space<vmem_shared>>)
      tpu.yield
    }) : () -> ()
    %barrier3A = arith.constant 0 : index
    tpu.barrier barrier_id(%barrier3A)
    "tpu.region"() ({
      %run_scoped3A = tpu.sem_alloc : memref<!tpu.dma_semaphore, #tpu.memory_space<semaphore_mem>>
      tpu.enqueue_dma source(%arg13 : memref<100352xf32, #tpu.memory_space<vmem_shared>>) target(%arg6 : memref<100352xf32, #tpu.memory_space<vmem>>) target_semaphore(%run_scoped3A : memref<!tpu.dma_semaphore, #tpu.memory_space<semaphore_mem>>)
      tpu.wait_dma2 semaphore(%run_scoped3A : memref<!tpu.dma_semaphore, #tpu.memory_space<semaphore_mem>>) src(%arg13 : memref<100352xf32, #tpu.memory_space<vmem_shared>>) dst(%arg6 : memref<100352xf32, #tpu.memory_space<vmem>>)
      tpu.yield
    }) : () -> ()
    %scan3A = arith.constant 0 : i32
    %scan3A_168 = arith.constant 0 : i32
    %scan3A_169 = arith.constant 25 : i32
    %scan3A_170 = arith.addi %scan3A_168, %scan3A_169 : i32
    %scan3A_171 = arith.constant 1 : i32
    %scan3A_172 = scf.for %scan3A_183 = %scan3A_168 to %scan3A_170 step %scan3A_171 iter_args(%scan3A_184 = %scan3A) -> (i32)  : i32 {
      %mul3A_185 = arith.constant 2 : i32
      %mul3A_186 = arith.muli %mul3A_185, %scan3A_183 : i32
      %mul3A_187 = arith.constant 4000 : i32
      %mul3A_188 = arith.muli %mul3A_186, %mul3A_187 : i32
      %add3A_189 = arith.addi %mul3A_2, %mul3A_188 : i32
      %add3A_190 = arith.constant 4000 : i32
      %add3A_191 = arith.addi %add3A_189, %add3A_190 : i32
      %dma_start3A_192 = tpu.memref_slice %arg2[%add3A_191] : memref<6400000xf32, #tpu.memory_space<hbm>> -> memref<4000xf32, #tpu.memory_space<hbm>>
      %dma_start3A_193 = tpu.memref_slice %arg2[%add3A_191] : memref<6400000xf32, #tpu.memory_space<hbm>> -> memref<4000xf32, #tpu.memory_space<hbm>>
      tpu.enqueue_dma source(%dma_start3A_193 : memref<4000xf32, #tpu.memory_space<hbm>>) target(%arg8 : memref<4000xf32, #tpu.memory_space<vmem>>) target_semaphore(%arg15 : memref<!tpu.dma_semaphore, #tpu.memory_space<semaphore_mem>>)
      %dma_start3A_194 = tpu.memref_slice %arg3[%add3A_191] : memref<6400000xi32, #tpu.memory_space<hbm>> -> memref<4000xi32, #tpu.memory_space<hbm>>
      %dma_start3A_195 = tpu.memref_slice %arg3[%add3A_191] : memref<6400000xi32, #tpu.memory_space<hbm>> -> memref<4000xi32, #tpu.memory_space<hbm>>
      tpu.enqueue_dma source(%dma_start3A_195 : memref<4000xi32, #tpu.memory_space<hbm>>) target(%arg10 : memref<4000xi32, #tpu.memory_space<vmem>>) target_semaphore(%arg17 : memref<!tpu.dma_semaphore, #tpu.memory_space<semaphore_mem>>)
      %dma_wait3A_196 = tpu.memref_slice %arg2[%add3A_189] : memref<6400000xf32, #tpu.memory_space<hbm>> -> memref<4000xf32, #tpu.memory_space<hbm>>
      %dma_wait3A_197 = tpu.memref_slice %arg2[%add3A_189] : memref<6400000xf32, #tpu.memory_space<hbm>> -> memref<4000xf32, #tpu.memory_space<hbm>>
      tpu.wait_dma2 semaphore(%arg14 : memref<!tpu.dma_semaphore, #tpu.memory_space<semaphore_mem>>) src(%dma_wait3A_197 : memref<4000xf32, #tpu.memory_space<hbm>>) dst(%arg7 : memref<4000xf32, #tpu.memory_space<vmem>>)
      %dma_wait3A_198 = tpu.memref_slice %arg3[%add3A_189] : memref<6400000xi32, #tpu.memory_space<hbm>> -> memref<4000xi32, #tpu.memory_space<hbm>>
      %dma_wait3A_199 = tpu.memref_slice %arg3[%add3A_189] : memref<6400000xi32, #tpu.memory_space<hbm>> -> memref<4000xi32, #tpu.memory_space<hbm>>
      tpu.wait_dma2 semaphore(%arg16 : memref<!tpu.dma_semaphore, #tpu.memory_space<semaphore_mem>>) src(%dma_wait3A_199 : memref<4000xi32, #tpu.memory_space<hbm>>) dst(%arg9 : memref<4000xi32, #tpu.memory_space<vmem>>)
      %gt3A = arith.constant 0 : i32
      %gt3A_200 = arith.cmpi sgt, %scan3A_183, %gt3A : i32
      %convert_element_type3A = arith.extui %gt3A_200 : i1 to i32
      %cond3A = arith.constant 0 : i32
      %cond3A_201 = arith.cmpi ne, %convert_element_type3A, %cond3A : i32
      scf.if %cond3A_201 {
        %dma_wait3A_244 = tpu.memref_slice %arg5[%add3A_189] : memref<6400000xf32, #tpu.memory_space<hbm>> -> memref<2000xf32, #tpu.memory_space<hbm>>
        %dma_wait3A_245 = tpu.memref_slice %arg5[%add3A_189] : memref<6400000xf32, #tpu.memory_space<hbm>> -> memref<2000xf32, #tpu.memory_space<hbm>>
        tpu.wait_dma2 semaphore(%arg18 : memref<!tpu.dma_semaphore, #tpu.memory_space<semaphore_mem>>) src(%arg11 : memref<2000xf32, #tpu.memory_space<vmem>>) dst(%dma_wait3A_245 : memref<2000xf32, #tpu.memory_space<hbm>>)
      } else {
      }
      %parallel_loop3A_202 = arith.constant 0 : i32
      %parallel_loop3A_203 = arith.constant 125 : i32
      %parallel_loop3A_204 = arith.constant 1 : i32
      scf.for %parallel_loop3A_244 = %parallel_loop3A_202 to %parallel_loop3A_203 step %parallel_loop3A_204  : i32 {
        %parallel_loop3A_245 = arith.constant 16 : i32
        %parallel_loop3A_246 = arith.muli %parallel_loop3A_244, %parallel_loop3A_245 : i32
        %parallel_loop3A_247 = arith.constant 0 : i32
        %parallel_loop3A_248 = arith.addi %parallel_loop3A_247, %parallel_loop3A_246 : i32
        %parallel_loop3A_249 = arith.index_cast %parallel_loop3A_248 : i32 to index
        %parallel_loop3A_250 = tpu.vector_load %arg9[%parallel_loop3A_249] {strides = array<i32>} : memref<4000xi32, #tpu.memory_space<vmem>>, vector<16xi32>,
        %parallel_loop3A_251 = tpu.vector_load_idx %arg6[%parallel_loop3A_250] : memref<100352xf32, #tpu.memory_space<vmem>>[vector<16xi32>], vector<16xf32>,
        %parallel_loop3A_252 = arith.index_cast %parallel_loop3A_248 : i32 to index
        %parallel_loop3A_253 = tpu.vector_load %arg7[%parallel_loop3A_252] {strides = array<i32>} : memref<4000xf32, #tpu.memory_space<vmem>>, vector<16xf32>,
        %parallel_loop3A_254 = math.exp %parallel_loop3A_253 : vector<16xf32>
        %parallel_loop3A_255 = arith.constant 1.000000e-16 : f32
        %parallel_loop3A_256 = vector.broadcast %parallel_loop3A_255 : f32 to vector<16xf32>
        %parallel_loop3A_257 = arith.addf %parallel_loop3A_251, %parallel_loop3A_256 : vector<16xf32>
        %parallel_loop3A_258 = arith.divf %parallel_loop3A_254, %parallel_loop3A_257 : vector<16xf32>
        %parallel_loop3A_259 = arith.constant 16 : i32
        %parallel_loop3A_260 = arith.muli %parallel_loop3A_244, %parallel_loop3A_259 : i32
        %parallel_loop3A_261 = arith.index_cast %parallel_loop3A_260 : i32 to index
        %parallel_loop3A_262 = tpu.vector_load %arg11[%parallel_loop3A_261] {strides = array<i32>} : memref<2000xf32, #tpu.memory_space<vmem>>, vector<16xf32>,
        tpu.vector_store %arg11[%parallel_loop3A_261], %parallel_loop3A_258 {strides = array<i32>} : memref<2000xf32, #tpu.memory_space<vmem>>, vector<16xf32>,
      } {sc.loop_unroll_factor = 5 : i64, sc.parallel_access}
      %dma_start3A_205 = tpu.memref_slice %arg5[%add3A_189] : memref<6400000xf32, #tpu.memory_space<hbm>> -> memref<2000xf32, #tpu.memory_space<hbm>>
      %dma_start3A_206 = tpu.memref_slice %arg5[%add3A_189] : memref<6400000xf32, #tpu.memory_space<hbm>> -> memref<2000xf32, #tpu.memory_space<hbm>>
      tpu.enqueue_dma source(%arg11 : memref<2000xf32, #tpu.memory_space<vmem>>) target(%dma_start3A_206 : memref<2000xf32, #tpu.memory_space<hbm>>) target_semaphore(%arg18 : memref<!tpu.dma_semaphore, #tpu.memory_space<semaphore_mem>>)
      %convert_element_type3A_207 = arith.extui %gt3A_200 : i1 to i32
      %cond3A_208 = arith.constant 0 : i32
      %cond3A_209 = arith.cmpi ne, %convert_element_type3A_207, %cond3A_208 : i32
      scf.if %cond3A_209 {
        %dma_wait3A_244 = tpu.memref_slice %arg5[%add3A_189] : memref<6400000xf32, #tpu.memory_space<hbm>> -> memref<2000xf32, #tpu.memory_space<hbm>>
        %dma_wait3A_245 = tpu.memref_slice %arg5[%add3A_189] : memref<6400000xf32, #tpu.memory_space<hbm>> -> memref<2000xf32, #tpu.memory_space<hbm>>
        tpu.wait_dma2 semaphore(%arg19 : memref<!tpu.dma_semaphore, #tpu.memory_space<semaphore_mem>>) src(%arg12 : memref<2000xf32, #tpu.memory_space<vmem>>) dst(%dma_wait3A_245 : memref<2000xf32, #tpu.memory_space<hbm>>)
      } else {
      }
      %parallel_loop3A_210 = arith.constant 0 : i32
      %parallel_loop3A_211 = arith.constant 125 : i32
      %parallel_loop3A_212 = arith.constant 1 : i32
      scf.for %parallel_loop3A_244 = %parallel_loop3A_210 to %parallel_loop3A_211 step %parallel_loop3A_212  : i32 {
        %parallel_loop3A_245 = arith.constant 16 : i32
        %parallel_loop3A_246 = arith.muli %parallel_loop3A_244, %parallel_loop3A_245 : i32
        %parallel_loop3A_247 = arith.constant 2000 : i32
        %parallel_loop3A_248 = arith.addi %parallel_loop3A_247, %parallel_loop3A_246 : i32
        %parallel_loop3A_249 = arith.index_cast %parallel_loop3A_248 : i32 to index
        %parallel_loop3A_250 = tpu.vector_load %arg9[%parallel_loop3A_249] {strides = array<i32>} : memref<4000xi32, #tpu.memory_space<vmem>>, vector<16xi32>,
        %parallel_loop3A_251 = tpu.vector_load_idx %arg6[%parallel_loop3A_250] : memref<100352xf32, #tpu.memory_space<vmem>>[vector<16xi32>], vector<16xf32>,
        %parallel_loop3A_252 = arith.index_cast %parallel_loop3A_248 : i32 to index
        %parallel_loop3A_253 = tpu.vector_load %arg7[%parallel_loop3A_252] {strides = array<i32>} : memref<4000xf32, #tpu.memory_space<vmem>>, vector<16xf32>,
        %parallel_loop3A_254 = math.exp %parallel_loop3A_253 : vector<16xf32>
        %parallel_loop3A_255 = arith.constant 1.000000e-16 : f32
        %parallel_loop3A_256 = vector.broadcast %parallel_loop3A_255 : f32 to vector<16xf32>
        %parallel_loop3A_257 = arith.addf %parallel_loop3A_251, %parallel_loop3A_256 : vector<16xf32>
        %parallel_loop3A_258 = arith.divf %parallel_loop3A_254, %parallel_loop3A_257 : vector<16xf32>
        %parallel_loop3A_259 = arith.constant 16 : i32
        %parallel_loop3A_260 = arith.muli %parallel_loop3A_244, %parallel_loop3A_259 : i32
        %parallel_loop3A_261 = arith.index_cast %parallel_loop3A_260 : i32 to index
        %parallel_loop3A_262 = tpu.vector_load %arg12[%parallel_loop3A_261] {strides = array<i32>} : memref<2000xf32, #tpu.memory_space<vmem>>, vector<16xf32>,
        tpu.vector_store %arg12[%parallel_loop3A_261], %parallel_loop3A_258 {strides = array<i32>} : memref<2000xf32, #tpu.memory_space<vmem>>, vector<16xf32>,
      } {sc.loop_unroll_factor = 5 : i64, sc.parallel_access}
      %add3A_213 = arith.constant 2000 : i32
      %add3A_214 = arith.addi %add3A_189, %add3A_213 : i32
      %dma_start3A_215 = tpu.memref_slice %arg5[%add3A_214] : memref<6400000xf32, #tpu.memory_space<hbm>> -> memref<2000xf32, #tpu.memory_space<hbm>>
      %dma_start3A_216 = tpu.memref_slice %arg5[%add3A_214] : memref<6400000xf32, #tpu.memory_space<hbm>> -> memref<2000xf32, #tpu.memory_space<hbm>>
      tpu.enqueue_dma source(%arg12 : memref<2000xf32, #tpu.memory_space<vmem>>) target(%dma_start3A_216 : memref<2000xf32, #tpu.memory_space<hbm>>) target_semaphore(%arg19 : memref<!tpu.dma_semaphore, #tpu.memory_space<semaphore_mem>>)
      %add3A_217 = arith.constant 1 : i32
      %add3A_218 = arith.addi %scan3A_183, %add3A_217 : i32
      %lt3A = arith.constant 25 : i32
      %lt3A_219 = arith.cmpi slt, %add3A_218, %lt3A : i32
      %convert_element_type3A_220 = arith.extui %lt3A_219 : i1 to i32
      %cond3A_221 = arith.constant 0 : i32
      %cond3A_222 = arith.cmpi ne, %convert_element_type3A_220, %cond3A_221 : i32
      scf.if %cond3A_222 {
        %add3A_244 = arith.constant 8000 : i32
        %add3A_245 = arith.addi %add3A_189, %add3A_244 : i32
        %dma_start3A_246 = tpu.memref_slice %arg2[%add3A_245] : memref<6400000xf32, #tpu.memory_space<hbm>> -> memref<4000xf32, #tpu.memory_space<hbm>>
        %dma_start3A_247 = tpu.memref_slice %arg2[%add3A_245] : memref<6400000xf32, #tpu.memory_space<hbm>> -> memref<4000xf32, #tpu.memory_space<hbm>>
        tpu.enqueue_dma source(%dma_start3A_247 : memref<4000xf32, #tpu.memory_space<hbm>>) target(%arg7 : memref<4000xf32, #tpu.memory_space<vmem>>) target_semaphore(%arg14 : memref<!tpu.dma_semaphore, #tpu.memory_space<semaphore_mem>>)
        %dma_start3A_248 = tpu.memref_slice %arg3[%add3A_245] : memref<6400000xi32, #tpu.memory_space<hbm>> -> memref<4000xi32, #tpu.memory_space<hbm>>
        %dma_start3A_249 = tpu.memref_slice %arg3[%add3A_245] : memref<6400000xi32, #tpu.memory_space<hbm>> -> memref<4000xi32, #tpu.memory_space<hbm>>
        tpu.enqueue_dma source(%dma_start3A_249 : memref<4000xi32, #tpu.memory_space<hbm>>) target(%arg9 : memref<4000xi32, #tpu.memory_space<vmem>>) target_semaphore(%arg16 : memref<!tpu.dma_semaphore, #tpu.memory_space<semaphore_mem>>)
      } else {
      }
      %dma_wait3A_223 = tpu.memref_slice %arg2[%add3A_191] : memref<6400000xf32, #tpu.memory_space<hbm>> -> memref<4000xf32, #tpu.memory_space<hbm>>
      %dma_wait3A_224 = tpu.memref_slice %arg2[%add3A_191] : memref<6400000xf32, #tpu.memory_space<hbm>> -> memref<4000xf32, #tpu.memory_space<hbm>>
      tpu.wait_dma2 semaphore(%arg15 : memref<!tpu.dma_semaphore, #tpu.memory_space<semaphore_mem>>) src(%dma_wait3A_224 : memref<4000xf32, #tpu.memory_space<hbm>>) dst(%arg8 : memref<4000xf32, #tpu.memory_space<vmem>>)
      %dma_wait3A_225 = tpu.memref_slice %arg3[%add3A_191] : memref<6400000xi32, #tpu.memory_space<hbm>> -> memref<4000xi32, #tpu.memory_space<hbm>>
      %dma_wait3A_226 = tpu.memref_slice %arg3[%add3A_191] : memref<6400000xi32, #tpu.memory_space<hbm>> -> memref<4000xi32, #tpu.memory_space<hbm>>
      tpu.wait_dma2 semaphore(%arg17 : memref<!tpu.dma_semaphore, #tpu.memory_space<semaphore_mem>>) src(%dma_wait3A_226 : memref<4000xi32, #tpu.memory_space<hbm>>) dst(%arg10 : memref<4000xi32, #tpu.memory_space<vmem>>)
      %dma_wait3A_227 = tpu.memref_slice %arg5[%add3A_191] : memref<6400000xf32, #tpu.memory_space<hbm>> -> memref<2000xf32, #tpu.memory_space<hbm>>
      %dma_wait3A_228 = tpu.memref_slice %arg5[%add3A_191] : memref<6400000xf32, #tpu.memory_space<hbm>> -> memref<2000xf32, #tpu.memory_space<hbm>>
      tpu.wait_dma2 semaphore(%arg18 : memref<!tpu.dma_semaphore, #tpu.memory_space<semaphore_mem>>) src(%arg11 : memref<2000xf32, #tpu.memory_space<vmem>>) dst(%dma_wait3A_228 : memref<2000xf32, #tpu.memory_space<hbm>>)
      %parallel_loop3A_229 = arith.constant 0 : i32
      %parallel_loop3A_230 = arith.constant 125 : i32
      %parallel_loop3A_231 = arith.constant 1 : i32
      scf.for %parallel_loop3A_244 = %parallel_loop3A_229 to %parallel_loop3A_230 step %parallel_loop3A_231  : i32 {
        %parallel_loop3A_245 = arith.constant 16 : i32
        %parallel_loop3A_246 = arith.muli %parallel_loop3A_244, %parallel_loop3A_245 : i32
        %parallel_loop3A_247 = arith.constant 0 : i32
        %parallel_loop3A_248 = arith.addi %parallel_loop3A_247, %parallel_loop3A_246 : i32
        %parallel_loop3A_249 = arith.index_cast %parallel_loop3A_248 : i32 to index
        %parallel_loop3A_250 = tpu.vector_load %arg10[%parallel_loop3A_249] {strides = array<i32>} : memref<4000xi32, #tpu.memory_space<vmem>>, vector<16xi32>,
        %parallel_loop3A_251 = tpu.vector_load_idx %arg6[%parallel_loop3A_250] : memref<100352xf32, #tpu.memory_space<vmem>>[vector<16xi32>], vector<16xf32>,
        %parallel_loop3A_252 = arith.index_cast %parallel_loop3A_248 : i32 to index
        %parallel_loop3A_253 = tpu.vector_load %arg8[%parallel_loop3A_252] {strides = array<i32>} : memref<4000xf32, #tpu.memory_space<vmem>>, vector<16xf32>,
        %parallel_loop3A_254 = math.exp %parallel_loop3A_253 : vector<16xf32>
        %parallel_loop3A_255 = arith.constant 1.000000e-16 : f32
        %parallel_loop3A_256 = vector.broadcast %parallel_loop3A_255 : f32 to vector<16xf32>
        %parallel_loop3A_257 = arith.addf %parallel_loop3A_251, %parallel_loop3A_256 : vector<16xf32>
        %parallel_loop3A_258 = arith.divf %parallel_loop3A_254, %parallel_loop3A_257 : vector<16xf32>
        %parallel_loop3A_259 = arith.constant 16 : i32
        %parallel_loop3A_260 = arith.muli %parallel_loop3A_244, %parallel_loop3A_259 : i32
        %parallel_loop3A_261 = arith.index_cast %parallel_loop3A_260 : i32 to index
        %parallel_loop3A_262 = tpu.vector_load %arg11[%parallel_loop3A_261] {strides = array<i32>} : memref<2000xf32, #tpu.memory_space<vmem>>, vector<16xf32>,
        tpu.vector_store %arg11[%parallel_loop3A_261], %parallel_loop3A_258 {strides = array<i32>} : memref<2000xf32, #tpu.memory_space<vmem>>, vector<16xf32>,
      } {sc.loop_unroll_factor = 5 : i64, sc.parallel_access}
      %dma_start3A_232 = tpu.memref_slice %arg5[%add3A_191] : memref<6400000xf32, #tpu.memory_space<hbm>> -> memref<2000xf32, #tpu.memory_space<hbm>>
      %dma_start3A_233 = tpu.memref_slice %arg5[%add3A_191] : memref<6400000xf32, #tpu.memory_space<hbm>> -> memref<2000xf32, #tpu.memory_space<hbm>>
      tpu.enqueue_dma source(%arg11 : memref<2000xf32, #tpu.memory_space<vmem>>) target(%dma_start3A_233 : memref<2000xf32, #tpu.memory_space<hbm>>) target_semaphore(%arg18 : memref<!tpu.dma_semaphore, #tpu.memory_space<semaphore_mem>>)
      %dma_wait3A_234 = tpu.memref_slice %arg5[%add3A_191] : memref<6400000xf32, #tpu.memory_space<hbm>> -> memref<2000xf32, #tpu.memory_space<hbm>>
      %dma_wait3A_235 = tpu.memref_slice %arg5[%add3A_191] : memref<6400000xf32, #tpu.memory_space<hbm>> -> memref<2000xf32, #tpu.memory_space<hbm>>
      tpu.wait_dma2 semaphore(%arg19 : memref<!tpu.dma_semaphore, #tpu.memory_space<semaphore_mem>>) src(%arg12 : memref<2000xf32, #tpu.memory_space<vmem>>) dst(%dma_wait3A_235 : memref<2000xf32, #tpu.memory_space<hbm>>)
      %parallel_loop3A_236 = arith.constant 0 : i32
      %parallel_loop3A_237 = arith.constant 125 : i32
      %parallel_loop3A_238 = arith.constant 1 : i32
      scf.for %parallel_loop3A_244 = %parallel_loop3A_236 to %parallel_loop3A_237 step %parallel_loop3A_238  : i32 {
        %parallel_loop3A_245 = arith.constant 16 : i32
        %parallel_loop3A_246 = arith.muli %parallel_loop3A_244, %parallel_loop3A_245 : i32
        %parallel_loop3A_247 = arith.constant 2000 : i32
        %parallel_loop3A_248 = arith.addi %parallel_loop3A_247, %parallel_loop3A_246 : i32
        %parallel_loop3A_249 = arith.index_cast %parallel_loop3A_248 : i32 to index
        %parallel_loop3A_250 = tpu.vector_load %arg10[%parallel_loop3A_249] {strides = array<i32>} : memref<4000xi32, #tpu.memory_space<vmem>>, vector<16xi32>,
        %parallel_loop3A_251 = tpu.vector_load_idx %arg6[%parallel_loop3A_250] : memref<100352xf32, #tpu.memory_space<vmem>>[vector<16xi32>], vector<16xf32>,
        %parallel_loop3A_252 = arith.index_cast %parallel_loop3A_248 : i32 to index
        %parallel_loop3A_253 = tpu.vector_load %arg8[%parallel_loop3A_252] {strides = array<i32>} : memref<4000xf32, #tpu.memory_space<vmem>>, vector<16xf32>,
        %parallel_loop3A_254 = math.exp %parallel_loop3A_253 : vector<16xf32>
        %parallel_loop3A_255 = arith.constant 1.000000e-16 : f32
        %parallel_loop3A_256 = vector.broadcast %parallel_loop3A_255 : f32 to vector<16xf32>
        %parallel_loop3A_257 = arith.addf %parallel_loop3A_251, %parallel_loop3A_256 : vector<16xf32>
        %parallel_loop3A_258 = arith.divf %parallel_loop3A_254, %parallel_loop3A_257 : vector<16xf32>
        %parallel_loop3A_259 = arith.constant 16 : i32
        %parallel_loop3A_260 = arith.muli %parallel_loop3A_244, %parallel_loop3A_259 : i32
        %parallel_loop3A_261 = arith.index_cast %parallel_loop3A_260 : i32 to index
        %parallel_loop3A_262 = tpu.vector_load %arg12[%parallel_loop3A_261] {strides = array<i32>} : memref<2000xf32, #tpu.memory_space<vmem>>, vector<16xf32>,
        tpu.vector_store %arg12[%parallel_loop3A_261], %parallel_loop3A_258 {strides = array<i32>} : memref<2000xf32, #tpu.memory_space<vmem>>, vector<16xf32>,
      } {sc.loop_unroll_factor = 5 : i64, sc.parallel_access}
      %add3A_239 = arith.constant 2000 : i32
      %add3A_240 = arith.addi %add3A_191, %add3A_239 : i32
      %dma_start3A_241 = tpu.memref_slice %arg5[%add3A_240] : memref<6400000xf32, #tpu.memory_space<hbm>> -> memref<2000xf32, #tpu.memory_space<hbm>>
      %dma_start3A_242 = tpu.memref_slice %arg5[%add3A_240] : memref<6400000xf32, #tpu.memory_space<hbm>> -> memref<2000xf32, #tpu.memory_space<hbm>>
      tpu.enqueue_dma source(%arg12 : memref<2000xf32, #tpu.memory_space<vmem>>) target(%dma_start3A_242 : memref<2000xf32, #tpu.memory_space<hbm>>) target_semaphore(%arg19 : memref<!tpu.dma_semaphore, #tpu.memory_space<semaphore_mem>>)
      %scan3A_243 = arith.constant 0 : i32
      scf.yield %scan3A_243 : i32
    }
    %scan3A_173 = arith.constant 25 : i32
    %add3A_174 = arith.constant 200000 : i32
    %add3A_175 = arith.addi %mul3A_2, %add3A_174 : i32
    %sub3A = arith.constant 4000 : i32
    %sub3A_176 = arith.subi %add3A_175, %sub3A : i32
    %dma_wait3A_177 = tpu.memref_slice %arg5[%sub3A_176] : memref<6400000xf32, #tpu.memory_space<hbm>> -> memref<2000xf32, #tpu.memory_space<hbm>>
    %dma_wait3A_178 = tpu.memref_slice %arg5[%sub3A_176] : memref<6400000xf32, #tpu.memory_space<hbm>> -> memref<2000xf32, #tpu.memory_space<hbm>>
    tpu.wait_dma2 semaphore(%arg18 : memref<!tpu.dma_semaphore, #tpu.memory_space<semaphore_mem>>) src(%arg11 : memref<2000xf32, #tpu.memory_space<vmem>>) dst(%dma_wait3A_178 : memref<2000xf32, #tpu.memory_space<hbm>>)
    %add3A_179 = arith.constant 2000 : i32
    %add3A_180 = arith.addi %sub3A_176, %add3A_179 : i32
    %dma_wait3A_181 = tpu.memref_slice %arg5[%add3A_180] : memref<6400000xf32, #tpu.memory_space<hbm>> -> memref<2000xf32, #tpu.memory_space<hbm>>
    %dma_wait3A_182 = tpu.memref_slice %arg5[%add3A_180] : memref<6400000xf32, #tpu.memory_space<hbm>> -> memref<2000xf32, #tpu.memory_space<hbm>>
    tpu.wait_dma2 semaphore(%arg19 : memref<!tpu.dma_semaphore, #tpu.memory_space<semaphore_mem>>) src(%arg12 : memref<2000xf32, #tpu.memory_space<vmem>>) dst(%dma_wait3A_182 : memref<2000xf32, #tpu.memory_space<hbm>>)
    return
  }
}

</mosaic_0001>

<sc_bundles>
// kernel: kernel.4.cloned.1.call-start
scs
__scs_entry_jumppad:
0x0: {  	(pc) =	sbr.rel $0x88, $3  }
0x1: {  	(tag) =	ssettag $0x0;
	lr =	simm.s32 $0x1  }
0x2: {  	[smem:$0x3F9F] =	sst lr;
	_ =	strace $0xD0000000  }
0x3: {  	_ = 	snop  }
0x4: {  	_ = 	snop  }
0x5: {  	_ = 	snop  }
0x6: {  	_ = 	snop  }
0x7: {  	_ = 	snop  }
__scs_overlays_trampoline_lowered:
0x8: {  	[smem:$0x3FAE] =	sst s0  }
0x9: {  	[smem:$0x3FAF] =	sst s1  }
0xa: {  	[smem:$0x3FB0] =	sst s2  }
0xb: {  	[smem:$0x3FB1] =	sst s3  }
0xc: {  	[smem:$0x3FB2] =	sst s4  }
0xd: {  	[smem:$0x3FB3] =	sst s5  }
0xe: {  	[smem:$0x3FB4] =	sst s6  }
0xf: {  	[smem:$0x3FB5] =	sst s7  }
0x10: {  	[smem:$0x3FB6] =	sst s8  }
0x11: {  	[smem:$0x3FB7] =	sst s9;
	s0 =	simm.s32 @!p0 $0x0  }
0x12: {  	s1 =	sld [smem:$0x3F9D];
	s0 =	simm.s32 @p0 $0x1  }
0x13: {  	[smem:$0x3FB8] =	sst s0;
	s0 =	simm.s32 @!p1 $0x0  }
0x14: {  	s2 =	sld [smem:$0x3F9C];
	s0 =	simm.s32 @p1 $0x1  }
0x15: {  	[smem:$0x3FB9] =	sst s0;
	s0 =	simm.s32 @!p2 $0x0  }
0x16: {  	s3 =	sld [smem:$0x3FDB];
	s0 =	simm.s32 @p2 $0x1  }
0x17: {  	s4 =	simm.s32 $0x1BF5;
	[smem:$0x3FBB] =	sst s0  }
0x18: {  	s0 =	sld [smem:$0x3F9E];
	_ =	swait.ge [sflag:s4], $0x0  }
0x19: {  	s7 =	sld [smem:$0x3F9F]  }
0x1a: {  	s8 =	sadd.s32 $0xFFFFE003, lr  }
0x1b: {  	s9 =	sadd.s32 $0xFFFFFEF7, lr;
	s5 =	simm.s32 $0xFFFFFFFF;
	p2 =	slt.u32 s8, $0xFFFFF086  }
0x1c: {  	p1 =	slt.u32 s9, $0xF7A;
	s5 =	simm.s32 @!p2 $0x0  }
0x1d: {  	s5 =	simm.s32 @p1 $0x1;
	p0 =	seq.s32 s7, s2  }
0x1e: {  	s7 =	smul.u32 @!p0 $0xF7A, s2;
	p2 =	seq.s32 @!p0 s5, $0x0  }
0x1f: {  	s9 =	smul.u32 $0xF7A, s1;
	s8 =	simm.s32 @!p0 $0x1BF5;
	p2 =	por !p2, p0  }
0x20: {  	[sflag:s8] =	ssyncset.s32 @!p0 $0xFFFFF086;
	s6 =	sadd.s32 @!p0 s3, s7;
	s7 =	simm.s32 @!p0 $0x108  }
0x21: {  	s3 =	sadd.s32 s3, s9;
	s6 =	sadd.s32 @!p0 $0x88, s6;
	s7 =	simm.s32 @p2 $0x1082  }
0x22: {  	[simem:s7], [sflag:s8] =	dma.local @!p0 [hbm:s6], $0xF7A  }
0x23: {  	s9 =	sor.u32 $0xD0000000, s2;
	s6 =	simm.s32 $0x108;
	_ =	swait.ge @!p0 [sflag:s8], $0x0  }
0x24: {  	s3 =	sadd.s32 $0x88, s3;
	s6 =	simm.s32 @!p1 $0x1082;
	[sflag:s4] =	ssyncset.s32 $0xFFFFF086  }
0x25: {  	[simem:s6], [sflag:s4] =	dma.local [hbm:s3], $0xF7A  }
0x26: {  	[smem:$0x3F9F] =	sst s1;
	(tag) =	ssettag s2;
	_ =	strace s9  }
0x27: {  	s1 =	sld [smem:$0x3FAF]  }
0x28: {  	s2 =	sld [smem:$0x3FB0]  }
0x29: {  	s4 =	sld [smem:$0x3FB2]  }
0x2a: {  	p0 =	seq.s32 s5, $0x0;
	s5 =	sld [smem:$0x3FB3]  }
0x2b: {  	s6 =	sld [smem:$0x3FB4]  }
0x2c: {  	s7 =	sld [smem:$0x3FB5]  }
0x2d: {  	s3 =	simm.s32 $0x108;
	s8 =	sld [smem:$0x3FB6]  }
0x2e: {  	s3 =	simm.s32 @!p0 $0x1082;
	s9 =	sld [smem:$0x3FB7]  }
0x2f: {  	lr =	sadd.s32 s0, s3;
	s0 =	sld [smem:$0x3FAE]  }
0x30: {  	s3 =	sld [smem:$0x3FB1]  }
0x31: {  	[smem:$0x3FBA] =	sst s10  }
0x32: {  	s10 =	sld [smem:$0x3FB8];
	_ =	sdelay $0x3  }
0x33: {  	p0 =	seq.s32 s10, $0x1;
	s10 =	sld [smem:$0x3FBA];
	_ =	sdelay $0x3  }
0x34: {  	[smem:$0x3FBA] =	sst s10  }
0x35: {  	s10 =	sld [smem:$0x3FB9];
	_ =	sdelay $0x3  }
0x36: {  	p1 =	seq.s32 s10, $0x1;
	s10 =	sld [smem:$0x3FBA];
	_ =	sdelay $0x3  }
0x37: {  	[smem:$0x3FBA] =	sst s10  }
0x38: {  	s10 =	sld [smem:$0x3FBB]  }
0x39: {  	_ = 	snop;
	(pc) =	sbr.ind lr, $3  }
0x3a: {  	_ = 	snop  }
0x3b: {  	_ = 	snop  }
0x3c: {  	p2 =	seq.s32 s10, $0x1;
	s10 =	sld [smem:$0x3FBA]  }
0x3d: {  	_ =	shalt  }
0x3e: {  	_ =	shalt  }
0x3f: {  	_ =	shalt  }
0x40: {  	_ =	shalt  }
0x41: {  	_ =	shalt  }
0x42: {  	_ =	shalt  }
0x43: {  	_ =	shalt  }
0x44: {  	_ =	shalt  }
0x45: {  	_ =	shalt  }
0x46: {  	_ =	shalt  }
0x47: {  	_ =	shalt  }
0x48: {  	_ =	shalt  }
0x49: {  	_ =	shalt  }
0x4a: {  	_ =	shalt  }
0x4b: {  	_ =	shalt  }
0x4c: {  	_ =	shalt  }
0x4d: {  	_ =	shalt  }
0x4e: {  	_ =	shalt  }
0x4f: {  	_ =	shalt  }
0x50: {  	_ =	shalt  }
0x51: {  	_ =	shalt  }
0x52: {  	_ =	shalt  }
0x53: {  	_ =	shalt  }
0x54: {  	_ =	shalt  }
0x55: {  	_ =	shalt  }
0x56: {  	_ =	shalt  }
0x57: {  	_ =	shalt  }
0x58: {  	_ =	shalt  }
0x59: {  	_ =	shalt  }
0x5a: {  	_ =	shalt  }
0x5b: {  	_ =	shalt  }
0x5c: {  	_ =	shalt  }
0x5d: {  	_ =	shalt  }
0x5e: {  	_ =	shalt  }
0x5f: {  	_ =	shalt  }
0x60: {  	_ =	shalt  }
0x61: {  	_ =	shalt  }
0x62: {  	_ =	shalt  }
0x63: {  	_ =	shalt  }
0x64: {  	_ =	shalt  }
0x65: {  	_ =	shalt  }
0x66: {  	_ =	shalt  }
0x67: {  	_ =	shalt  }
0x68: {  	_ =	shalt  }
0x69: {  	_ =	shalt  }
0x6a: {  	_ =	shalt  }
0x6b: {  	_ =	shalt  }
0x6c: {  	_ =	shalt  }
0x6d: {  	_ =	shalt  }
0x6e: {  	_ =	shalt  }
0x6f: {  	_ =	shalt  }
0x70: {  	_ =	shalt  }
0x71: {  	_ =	shalt  }
0x72: {  	_ =	shalt  }
0x73: {  	_ =	shalt  }
0x74: {  	_ =	shalt  }
0x75: {  	_ =	shalt  }
0x76: {  	_ =	shalt  }
0x77: {  	_ =	shalt  }
0x78: {  	_ =	shalt  }
0x79: {  	_ =	shalt  }
0x7a: {  	_ =	shalt  }
0x7b: {  	_ =	shalt  }
0x7c: {  	_ =	shalt  }
0x7d: {  	_ =	shalt  }
0x7e: {  	_ =	shalt  }
0x7f: {  	_ =	shalt  }
0x80: {  	_ =	shalt  }
0x81: {  	_ =	shalt  }
0x82: {  	_ =	shalt  }
0x83: {  	_ =	shalt  }
0x84: {  	_ =	shalt  }
0x85: {  	_ =	shalt  }
0x86: {  	_ =	shalt  }
0x87: {  	_ =	shalt  }
.Lfunc_end0:
.L_simem_size_0:
called_computation_lowered:
.L_overlay_start_0:
0x88: {  	s2 =	sld [smem:$0x3FD9]  }
0x89: {  	s3 =	sld [smem:$0x3FFE];
	_ =	sdelay $0x1  }
0x8a: {  	s1 =	srdreg.scid  }
0x8b: {  	s0 =	sand.u32 $0x1, s1  }
0x8c: {  	s17 =	sshll.u32 s0, $0xA;
	s2 =	sadd.s32 s3, s2  }
0x8d: {  	s2 =	sadd.s32 s2, s17  }
0x8e: {  	[smem:$0x3FC6] =	sst s2  }
0x8f: {  	_ = 	snop  }
0x90: {  	s2 =	sld [smem:$0x3FC9];
	(tm) =	ssettm $0x1  }
0x91: {  	s18 =	sld [smem:$0x3FFB];
	_ =	sdelay $0x3  }
0x92: {  	_ =	strace s18  }
0x93: {  	s3 =	sld [smem:$0x3FFC];
	_ =	sdelay $0x3  }
0x94: {  	_ =	strace s3  }
0x95: {  	s3 =	sld [smem:$0x3FFD];
	_ =	sdelay $0x3  }
0x96: {  	_ =	strace s3  }
0x97: {  	_ =	strace $0x8FFFFFFF  }
0x98: {  	s19 =	sld [smem:$0x3FDB];
	_ =	sdelay $0x1  }
0x99: {  	s4 =	simm.s32 $_scs_section_size  }
0x9a: {  	s5 =	simm.s32 $_size__tile_overlayer_lowered;
	s6 =	simm.s32 $_tile_overlayer_lowered  }
0x9b: {  	s22 =	simm.s32 $0x1BFF;
	s21 =	sshll.u32 s6, $0x1;
	s3 =	sadd.s32 s4, s19  }
0x9c: {  	s7 =	simm.s32 $0x0;
	s20 =	sshll.u32 s5, $0x1;
	s5 =	sadd.s32 s21, s3  }
0x9d: {  	[timem:s7], [sflag:s22] =	dma.local [hbm:s5], s20  }
0x9e: {  	_ =	swait.ge [sflag:s22], s20  }
0x9f: {  	s4 =	ssub.s32 $0x0, s20;
	[sflag:s22] =	ssyncset.done $0x0  }
0xa0: {  	[sflag:s22] =	ssyncadd.s32 s4;
	_ =	sdelay $0x1  }
0xa1: {  	s23 =	simm.s32 $0x1B8B  }
0xa2: {  	_ =	swait.ge [sflag:s23], $0x1  }
0xa3: {  	[sflag:s23] =	ssyncset.done $0x0  }
0xa4: {  	s25 =	simm.s32 $0x1B8E;
	s24 =	sld [smem:$0x3FFE];
	[sflag:s23] =	ssyncadd.s32 $0xFFFFFFFF  }
0xa5: {  	s26 =	simm.s32 $execute0_lowered;
	[smem:$0x3FD2] =	sst s25  }
0xa6: {  	s5 =	sshll.u32 s26, $0x1;
	_ =	strace $0x80000046;
	[dreg:$0x1] =	wrdreg $0xFFFFFFFF  }
0xa7: {  	s28 =	simm.s32 $_size_execute0_lowered;
	s3 =	sadd.s32 s3, s5;
	[dreg:$0x0] =	wrdreg $0x0  }
0xa8: {  	s5 =	sshll.u32 s28, $0x1;
	[dreg:$0x2] =	wrdreg s3  }
0xa9: {  	[dreg:$0x3] =	wrdreg s5  }
0xaa: {  	[dreg:$0x4] =	wrdreg $0xC0  }
0xab: {  	_ =	task [dreg:s7], $0x5FFFF  }
0xac: {  	[dreg:$0x1] =	wrdreg $0xFFFFFFFF  }
0xad: {  	[dreg:$0x0] =	wrdreg $0x60  }
0xae: {  	[dreg:$0x2] =	wrdreg s2  }
0xaf: {  	[dreg:$0x3] =	wrdreg s24  }
0xb0: {  	[dreg:$0x4] =	wrdreg $0x1C8000  }
0xb1: {  	[dreg:$0x5] =	wrdreg $0x9  }
0xb2: {  	_ =	task.clear_ibuf [dreg:s7], $0x6FFFF;
	_ =	strace $0x90000046  }
0xb3: {  	s29 =	simm.s32 $0x9;
	_ =	strace $0x80000048  }
0xb4: {  	_ =	swait.ge [sflag:s29], $0x1  }
0xb5: {  	[sflag:s29] =	ssyncadd.s32 $0xFFFFFFFF  }
0xb6: {  	_ =	strace $0x90000048  }
0xb7: {  	_ =	sfence  }
0xb8: {  	s30 =	sld [smem:$0x0];
	_ =	sdelay $0x2  }
0xb9: {  	s31 =	sshll.u32 s1, $0xD;
	s1 =	sshrl.u32 s1, $0x2  }
0xba: {  	s3 =	sand.u32 $0x4000, s31;
	s1 =	sadd.s32 s1, s30  }
0xbb: {  	s0 =	sor.u32 s3, s0;
	s1 =	sshll.u32 s1, $0x11  }
0xbc: {  	s0 =	sor.u32 s1, s0  }
0xbd: {  	s0 =	sadd.s32 $0x8F2B, s0  }
0xbe: {  	[sflag:s0] =	ssyncadd.remote.s32 $0x1  }
0xbf: {  	_ =	sfence.sel $0xFFFF  }
0xc0: {  	[dreg:$0x0] =	wrdreg $0xFFFFFFFF;
	(pc) =	sbr.abs _section_cstart, $3  }
0xc1: {  	[dreg:$0x1] =	wrdreg $0xFFFFFFFF  }
0xc2: {  	_ =	task.clear_ibuf [dreg:s7], $0x2FFFF;
	_ =	strace $0x9FFFFFFF  }
0xc3: {  	(tm) =	ssettm $0x7FFFFFFF  }
tec
execute0_lowered:
.L_overlay_start_1:
0x0: {  	(tag) =	ssettag $0x1  }
0x1: {  	s1 =	rddreg [dreg:$0x0]  }
0x2: {  	s0 =	rddreg [dreg:$0x1]  }
0x3: {  	s2 =	rddreg [dreg:$0x2];
	s3 =	srdreg.scid  }
0x4: {  	s4 =	simm.s32 $0x0;
	s28 =	simm.s32 $0x80;
	s29 =	simm.s32 $0x400  }
0x5: {  	s30 =	simm.s32 $0x5;
	s5 =	sand.u32 $0x1, s3;
	s3 =	stileid.u32  }
0x6: {  	s31 =	simm.s32 $0x0;
	[smem:$0x7FF] =	sst s4;
	s7 =	smul.u32 $0x18800, s5  }
0x7: {  	s6 =	sadd.s32 $0x800, s0;
	s8 =	smul.u32 $0x1880, s3;
	_ =	strace $0x80000047  }
0x8: {  	s17 =	sshll.u32 s5, $0x4;
	s9 =	sadd.s32 $0x1, s3;
	s5 =	ssub.s32 $0x2, s5  }
0x9: {  	s13 =	sshrl.u32 s3, $0x3;
	s23 =	sshll.u32 s3, $0x7;
	s24 =	smul.u32 $0x6200, s3  }
0xa: {  	s10 =	sand.u32 $0xF, s9;
	s18 =	sshrl.u32 s5, $0x1;
	s20 =	sshll.u32 s9, $0x7  }
0xb: {  	s22 =	smul.u32 $0x31000, s13;
	s13 =	sand.u32 $0x380, s23;
	s23 =	simm.s32 $0x1  }
0xc: {  	[dreg:$0x4] =	wrdreg s8;
	s7 =	sadd.s32 s8, s7;
	s8 =	sor.u32 s3, s17  }
0xd: {  	s11 =	sshrl.u32 s10, $0x3;
	s5 =	ssub.s32 s5, s18;
	s21 =	smul.u32 $0x6200, s10  }
0xe: {  	s26 =	sshrl.u32 s24, $0x2;
	s24 =	simm.s32 $0x3;
	s8 =	smul.u32 $0x30D40, s8  }
0xf: {  	s7 =	sshrl.u32 s7, $0x3;
	s11 =	smul.u32 $0x31000, s11;
	s25 =	sshrl.u32 s22, $0x2  }
0x10: {  	s16 =	smax.u32 s5, $0x1;
	s17 =	sor.u32 $0x40, s26;
	s18 =	sadd.s32 $0xCF0, s26  }
0x11: {  	s22 =	simm.s32 $0x1B800;
	s26 =	simm.s32 $0x4;
	s0 =	sadd.s32 s7, s0  }
0x12: {  	s14 =	sadd.s32 s25, s2;
	s25 =	simm.s32 $0x2;
	s19 =	sshrl.u32 s8, $0x3  }
0x13: {  	s9 =	sadd.s32 $0xFA0, s8;
	s11 =	sshrl.u32 s11, $0x2;
	s0 =	sadd.s32 $0xC3E00, s0  }
0x14: {  	s12 =	sadd.s32 s1, s19;
	s7 =	sadd.s32 s6, s19;
	[dreg:$0x9] =	wrdreg s0  }
0x15: {  	s11 =	sadd.s32 s11, s2;
	[dreg:$0x6] =	wrdreg s7;
	s7 =	sand.u32 $0x380, s20  }
0x16: {  	[dreg:$0x5] =	wrdreg s12;
	s12 =	sshrl.u32 s21, $0x2;
	s7 =	sadd.s32 s7, s11  }
0x17: {  	s10 =	sadd.s32 $0x1F40, s8;
	[dreg:$0x8] =	wrdreg s12;
	s7 =	sadd.s32 $0x18800, s7  }
0x18: {  	v0 =	vimm.f32 $0.0e+00;
	s19 =	simm.s32 $0x18800;
	s21 =	simm.s32 $0x19800;
	[dreg:$0x7] =	wrdreg s7  }
.LBB2_1:
0x19: {  	s0 =	rddreg [dreg:$0x5]  }
0x1a: {  	[tilespmem:s19], [sflag:$0x1] =	stream.linear.gather [hbm4b:s0+s4], $0xFA0, $0x38;
	[tilespmem:$0x1F900] =	vst v63  }
0x1b: {  	s20 =	rddreg [dreg:$0x6];
	s5 =	simm.s32 $0x1A800;
	s0 =	simm.s32 $0x40  }
0x1c: {  	[tilespmem:s5], [sflag:$0x3] =	stream.linear.gather [hbm4b:s20+s4], $0xFA0, $0x38;
	[tilespmem:$0x1F900] =	vst v63  }
0x1d: {  	[tilespmem:s0+$0xFFFFFFC0] =	vst v0  }
0x1e: {  	[tilespmem:s0+$0x30] =	vst v0  }
0x1f: {  	[tilespmem:s0+$0x20] =	vst v0  }
0x20: {  	[tilespmem:s0+$0x10] =	vst v0  }
0x21: {  	[tilespmem:s0+$0x0] =	vst v0  }
0x22: {  	[tilespmem:s0+$0xFFFFFFF0] =	vst v0  }
0x23: {  	s5 =	simm.s32 $0x0;
	[tilespmem:s0+$0xFFFFFFE0] =	vst v0  }
.LBB2_2:
0x24: {  	s5 =	sadd.s32 $0x8, s5;
	[tilespmem:s0+$0xFFFFFFD0] =	vst v0;
	s0 =	sadd.s32 $0x80, s0  }
0x25: {  	[tilespmem:s0+$0xFFFFFFC0] =	vst v0;
	p0 =	slt.u32 s5, $0x1878  }
0x26: {  	[tilespmem:s0+$0x30] =	vst v0  }
.Ltmp0:
0x27: {  	[tilespmem:s0+$0x20] =	vst v0;
	(pc) =	sbr.rel @p0 .LBB2_2-.Ltmp0, $4  }
0x28: {  	[tilespmem:s0+$0x10] =	vst v0  }
0x29: {  	[tilespmem:s0+$0x0] =	vst v0  }
0x2a: {  	[tilespmem:s0+$0xFFFFFFF0] =	vst v0  }
0x2b: {  	[tilespmem:s0+$0xFFFFFFE0] =	vst v0  }
0x2c: {  	[tilespmem:s0+$0xFFFFFFD0] =	vst v0;
	s0 =	simm.s32 $0x0;
	s20 =	simm.s32 $0x0  }
.LBB2_5:
0x2d: {  	s7 =	smul.u32 $0x1F40, s20;
	_ =	sdelay $0x1  }
0x2e: {  	s5 =	sadd.s32 s7, s9  }
0x2f: {  	s5 =	sshrl.u32 s5, $0x3  }
0x30: {  	s8 =	sadd.s32 s1, s5  }
0x31: {  	[tilespmem:s21], [sflag:$0x2] =	stream.linear.gather [hbm4b:s8+s0], $0xFA0, $0x38;
	[tilespmem:$0x1F900] =	vst v63  }
0x32: {  	s5 =	sadd.s32 s6, s5  }
0x33: {  	[tilespmem:s22], [sflag:$0x4] =	stream.linear.gather [hbm4b:s5+s0], $0xFA0, $0x38;
	[tilespmem:$0x1F900] =	vst v63  }
0x34: {  	_ =	swait.ge [sflag:s23], $0xFA0  }
0x35: {  	[sflag:s23] =	ssyncset.done $0x0  }
0x36: {  	[sflag:s23] =	ssyncadd.s32 $0xFFFFF060  }
0x37: {  	_ =	swait.ge [sflag:s24], $0xFA0  }
0x38: {  	[sflag:s24] =	ssyncset.done $0x0  }
0x39: {  	s15 =	simm.s32 $0x18850;
	[sflag:s24] =	ssyncadd.s32 $0xFFFFF060  }
0x3a: {  	s11 =	sand.u32 $0xFE0, s0;
	v1 =	vld [tilespmem:s15+$0x40]  }
0x3b: {  	v2 =	vld [tilespmem:s11+$0x18880]  }
0x3c: {  	v3 =	vld [tilespmem:s15+$0xFFFFFFB0]  }
0x3d: {  	v4 =	vld [tilespmem:s15+$0xFFFFFFC0]  }
0x3e: {  	v5 =	vld [tilespmem:s15+$0xFFFFFFD0]  }
0x3f: {  	v6 =	vld [tilespmem:s15+$0xFFFFFFE0]  }
0x40: {  	v7 =	vld [tilespmem:s15+$0xFFFFFFF0];
	v1 =	vmul.f32 $1.442695020e+00, v1  }
0x41: {  	v8 =	vld [tilespmem:s15+$0x0];
	v2 =	vmul.f32 $1.442695020e+00, v2  }
0x42: {  	v9 =	vld [tilespmem:s11+$0x1A880];
	(erf) = vpow2.f32 v1  }
0x43: {  	s8 =	simm.s32 $0x1A850;
	v1 =	vld [tilespmem:s15+$0x10];
	(erf) = vpow2.f32 v2  }
0x44: {  	v2 =	vmul.f32 $1.442695020e+00, v3;
	v3 =	vld [tilespmem:s8+$0x40]  }
0x45: {  	v53 =	vld [tilespmem:s8+$0xFFFFFFC0];
	v4 =	vmul.f32 $1.442695020e+00, v4;
	v5 =	vmul.f32 $1.442695020e+00, v5  }
0x46: {  	v6 =	vmul.f32 $1.442695020e+00, v6;
	(erf) = vpow2.f32 v2;
	v2 =	vld [tilespmem:s15+$0x20]  }
0x47: {  	v54 =	vld [tilespmem:s8+$0xFFFFFFD0];
	v7 =	vmul.f32 $1.442695020e+00, v7;
	(erf) = vpow2.f32 v4  }
0x48: {  	v59 =	vld [tilespmem:s8+$0xFFFFFFB0];
	(erf) = vpow2.f32 v5;
	v1 =	vmul.f32 $1.442695020e+00, v1  }
0x49: {  	v55 =	vld [tilespmem:s8+$0xFFFFFFE0];
	v8 =	vmul.f32 $1.442695020e+00, v8;
	(erf) = vpow2.f32 v6  }
0x4a: {  	v56 =	vld [tilespmem:s8+$0xFFFFFFF0];
	(erf) = vpow2.f32 v7  }
0x4b: {  	v57 =	vld [tilespmem:s8+$0x0];
	(erf) = vpow2.f32 v8;
	v2 =	vmul.f32 $1.442695020e+00, v2;
	v10 =	vpop (erf)  }
0x4c: {  	(erf) = vpow2.f32 v1;
	[tilespmem:v3+s4+$0x0] =	vst.idx.add.f32.msk $0xffff, v10;
	v1 =	vpop (erf)  }
0x4d: {  	(erf) = vpow2.f32 v2;
	[tilespmem:v9+s4+$0x0] =	vst.idx.add.f32.msk $0xffff, v1  }
0x4e: {  	v1 =	vld [tilespmem:s8+$0x10]  }
0x4f: {  	v3 =	vld [tilespmem:s8+$0x20];
	v2 =	vpop (erf)  }
0x50: {  	v58 =	vpop (erf);
	[tilespmem:v59+s4+$0x0] =	vst.idx.add.f32.msk $0xffff, v2  }
0x51: {  	v11 =	vpop (erf);
	[tilespmem:v53+s4+$0x0] =	vst.idx.add.f32.msk $0xffff, v58  }
0x52: {  	v60 =	vpop (erf);
	[tilespmem:v54+s4+$0x0] =	vst.idx.add.f32.msk $0xffff, v11  }
0x53: {  	v61 =	vpop (erf);
	[tilespmem:v55+s4+$0x0] =	vst.idx.add.f32.msk $0xffff, v60  }
0x54: {  	v62 =	vpop (erf);
	[tilespmem:v56+s4+$0x0] =	vst.idx.add.f32.msk $0xffff, v61  }
0x55: {  	v63 =	vpop (erf);
	[tilespmem:v57+s4+$0x0] =	vst.idx.add.f32.msk $0xffff, v62  }
0x56: {  	[tilespmem:v1+s4+$0x0] =	vst.idx.add.f32.msk $0xffff, v63;
	v1 =	vpop (erf)  }
0x57: {  	s12 =	simm.s32 $0xA0;
	s5 =	simm.s32 $0x0;
	s11 =	simm.s32 $0x188F0;
	[tilespmem:v3+s4+$0x0] =	vst.idx.add.f32.msk $0xffff, v1  }
.LBB2_6:
0x58: {  	s15 =	sand.u32 $0xFE0, s12;
	v1 =	vld [tilespmem:s11+$0x40];
	s5 =	sadd.s32 $0xA, s5  }
0x59: {  	v2 =	vld [tilespmem:s15+$0x18880];
	p0 =	slt.u32 s5, $0xF0  }
0x5a: {  	v3 =	vld [tilespmem:s11+$0xFFFFFFB0]  }
0x5b: {  	v4 =	vld [tilespmem:s11+$0xFFFFFFC0]  }
0x5c: {  	v5 =	vld [tilespmem:s11+$0xFFFFFFD0]  }
0x5d: {  	v6 =	vld [tilespmem:s11+$0xFFFFFFE0];
	v1 =	vmul.f32 $1.442695020e+00, v1  }
0x5e: {  	v7 =	vld [tilespmem:s11+$0xFFFFFFF0];
	v2 =	vmul.f32 $1.442695020e+00, v2  }
0x5f: {  	v3 =	vmul.f32 $1.442695020e+00, v3;
	v8 =	vld [tilespmem:s11+$0x0];
	(erf) = vpow2.f32 v1  }
0x60: {  	s8 =	sadd.s32 $0xA0, s8;
	v1 =	vmul.f32 $1.442695020e+00, v4;
	v4 =	vld [tilespmem:s11+$0x10];
	(erf) = vpow2.f32 v2  }
0x61: {  	v2 =	vmul.f32 $1.442695020e+00, v5;
	v5 =	vld [tilespmem:s8+$0x40];
	(erf) = vpow2.f32 v3  }
0x62: {  	v3 =	vmul.f32 $1.442695020e+00, v6;
	v6 =	vld [tilespmem:s15+$0x1A880];
	(erf) = vpow2.f32 v1  }
0x63: {  	v1 =	vmul.f32 $1.442695020e+00, v7;
	v7 =	vld [tilespmem:s11+$0x20];
	(erf) = vpow2.f32 v2  }
0x64: {  	v2 =	vld [tilespmem:s8+$0xFFFFFFC0];
	v8 =	vmul.f32 $1.442695020e+00, v8;
	(erf) = vpow2.f32 v3  }
0x65: {  	v3 =	vld [tilespmem:s8+$0xFFFFFFD0];
	v4 =	vmul.f32 $1.442695020e+00, v4;
	(erf) = vpow2.f32 v1  }
0x66: {  	v1 =	vld [tilespmem:s8+$0xFFFFFFE0];
	(erf) = vpow2.f32 v8  }
0x67: {  	v8 =	vld [tilespmem:s8+$0xFFFFFFF0];
	(erf) = vpow2.f32 v4  }
0x68: {  	v4 =	vld [tilespmem:s8+$0x0];
	v10 =	vmul.f32 $1.442695020e+00, v7;
	v9 =	vpop (erf)  }
0x69: {  	[tilespmem:v5+s4+$0x0] =	vst.idx.add.f32.msk $0xffff, v9;
	v5 =	vpop (erf)  }
0x6a: {  	[tilespmem:v6+s4+$0x0] =	vst.idx.add.f32.msk $0xffff, v5;
	v5 =	vpop (erf);
	(erf) = vpow2.f32 v10  }
0x6b: {  	v6 =	vld [tilespmem:s8+$0x10];
	v7 =	vpop (erf)  }
0x6c: {  	v9 =	vld [tilespmem:s8+$0x20];
	v10 =	vpop (erf)  }
0x6d: {  	v11 =	vld [tilespmem:s8+$0xFFFFFFB0];
	v12 =	vpop (erf)  }
0x6e: {  	[tilespmem:v2+s4+$0x0] =	vst.idx.add.f32.msk $0xffff, v7;
	v2 =	vpop (erf)  }
0x6f: {  	[tilespmem:v3+s4+$0x0] =	vst.idx.add.f32.msk $0xffff, v10;
	v3 =	vpop (erf)  }
0x70: {  	[tilespmem:v1+s4+$0x0] =	vst.idx.add.f32.msk $0xffff, v12;
	v1 =	vpop (erf)  }
.Ltmp1:
0x71: {  	[tilespmem:v8+s4+$0x0] =	vst.idx.add.f32.msk $0xffff, v2;
	(pc) =	sbr.rel @p0 .LBB2_6-.Ltmp1, $4  }
0x72: {  	[tilespmem:v4+s4+$0x0] =	vst.idx.add.f32.msk $0xffff, v3  }
0x73: {  	[tilespmem:v6+s4+$0x0] =	vst.idx.add.f32.msk $0xffff, v1;
	v1 =	vpop (erf)  }
0x74: {  	[tilespmem:v9+s4+$0x0] =	vst.idx.add.f32.msk $0xffff, v1  }
0x75: {  	s12 =	sadd.s32 $0xA0, s12;
	s11 =	sadd.s32 $0xA0, s11;
	[tilespmem:v11+s4+$0x0] =	vst.idx.add.f32.msk $0xffff, v5  }
0x76: {  	p0 =	seq.s32 s20, $0x18  }
0x77: {  	s5 =	sadd.s32 @!p0 s7, s10  }
0x78: {  	s5 =	sshrl.u32 @!p0 s5, $0x3  }
0x79: {  	s8 =	simm.s32 @!p0 $0x0;
	s11 =	simm.s32 @!p0 $0x18800;
	s7 =	sadd.s32 @!p0 s1, s5  }
0x7a: {  	[tilespmem:s11], [sflag:$0x1] =	stream.linear.gather @!p0 [hbm4b:s7+s8], $0xFA0, $0x38;
	[tilespmem:$0x1F900] =	vst v63  }
0x7b: {  	s5 =	sadd.s32 @!p0 s6, s5;
	s7 =	simm.s32 @!p0 $0x1A800  }
0x7c: {  	[tilespmem:s7], [sflag:$0x3] =	stream.linear.gather @!p0 [hbm4b:s5+s8], $0xFA0, $0x38;
	[tilespmem:$0x1F900] =	vst v63  }
0x7d: {  	_ =	swait.ge [sflag:s25], $0xFA0  }
0x7e: {  	[sflag:s25] =	ssyncset.done $0x0  }
0x7f: {  	[sflag:s25] =	ssyncadd.s32 $0xFFFFF060  }
0x80: {  	_ =	swait.ge [sflag:s26], $0xFA0  }
0x81: {  	[sflag:s26] =	ssyncset.done $0x0  }
0x82: {  	s12 =	simm.s32 $0x0;
	s11 =	simm.s32 $0x19850;
	[sflag:s26] =	ssyncadd.s32 $0xFFFFF060  }
0x83: {  	s15 =	sand.u32 $0xFE0, s12;
	v1 =	vld [tilespmem:s11+$0x40]  }
0x84: {  	v2 =	vld [tilespmem:s15+$0x19880]  }
0x85: {  	v3 =	vld [tilespmem:s11+$0xFFFFFFB0]  }
0x86: {  	v4 =	vld [tilespmem:s11+$0xFFFFFFC0]  }
0x87: {  	v5 =	vld [tilespmem:s11+$0xFFFFFFD0]  }
0x88: {  	v6 =	vld [tilespmem:s11+$0xFFFFFFE0]  }
0x89: {  	v7 =	vld [tilespmem:s11+$0xFFFFFFF0];
	v1 =	vmul.f32 $1.442695020e+00, v1  }
0x8a: {  	v8 =	vld [tilespmem:s11+$0x0];
	v2 =	vmul.f32 $1.442695020e+00, v2  }
0x8b: {  	v9 =	vld [tilespmem:s15+$0x1B880];
	(erf) = vpow2.f32 v1  }
0x8c: {  	s7 =	simm.s32 $0x1B850;
	v1 =	vld [tilespmem:s11+$0x10];
	(erf) = vpow2.f32 v2  }
0x8d: {  	v2 =	vmul.f32 $1.442695020e+00, v3;
	v3 =	vld [tilespmem:s7+$0x40]  }
0x8e: {  	v53 =	vld [tilespmem:s7+$0xFFFFFFC0];
	v4 =	vmul.f32 $1.442695020e+00, v4;
	v5 =	vmul.f32 $1.442695020e+00, v5  }
0x8f: {  	v6 =	vmul.f32 $1.442695020e+00, v6;
	(erf) = vpow2.f32 v2;
	v2 =	vld [tilespmem:s11+$0x20]  }
0x90: {  	v54 =	vld [tilespmem:s7+$0xFFFFFFD0];
	v7 =	vmul.f32 $1.442695020e+00, v7;
	(erf) = vpow2.f32 v4  }
0x91: {  	v59 =	vld [tilespmem:s7+$0xFFFFFFB0];
	(erf) = vpow2.f32 v5;
	v1 =	vmul.f32 $1.442695020e+00, v1  }
0x92: {  	v55 =	vld [tilespmem:s7+$0xFFFFFFE0];
	v8 =	vmul.f32 $1.442695020e+00, v8;
	(erf) = vpow2.f32 v6  }
0x93: {  	v56 =	vld [tilespmem:s7+$0xFFFFFFF0];
	(erf) = vpow2.f32 v7  }
0x94: {  	v57 =	vld [tilespmem:s7+$0x0];
	(erf) = vpow2.f32 v8;
	v2 =	vmul.f32 $1.442695020e+00, v2;
	v10 =	vpop (erf)  }
0x95: {  	(erf) = vpow2.f32 v1;
	[tilespmem:v3+s4+$0x0] =	vst.idx.add.f32.msk $0xffff, v10;
	v1 =	vpop (erf)  }
0x96: {  	(erf) = vpow2.f32 v2;
	[tilespmem:v9+s4+$0x0] =	vst.idx.add.f32.msk $0xffff, v1  }
0x97: {  	v1 =	vld [tilespmem:s7+$0x10]  }
0x98: {  	v3 =	vld [tilespmem:s7+$0x20];
	v2 =	vpop (erf)  }
0x99: {  	v58 =	vpop (erf);
	[tilespmem:v59+s4+$0x0] =	vst.idx.add.f32.msk $0xffff, v2  }
0x9a: {  	v11 =	vpop (erf);
	[tilespmem:v53+s4+$0x0] =	vst.idx.add.f32.msk $0xffff, v58  }
0x9b: {  	v60 =	vpop (erf);
	[tilespmem:v54+s4+$0x0] =	vst.idx.add.f32.msk $0xffff, v11  }
0x9c: {  	v61 =	vpop (erf);
	[tilespmem:v55+s4+$0x0] =	vst.idx.add.f32.msk $0xffff, v60  }
0x9d: {  	v62 =	vpop (erf);
	[tilespmem:v56+s4+$0x0] =	vst.idx.add.f32.msk $0xffff, v61  }
0x9e: {  	v63 =	vpop (erf);
	[tilespmem:v57+s4+$0x0] =	vst.idx.add.f32.msk $0xffff, v62  }
0x9f: {  	s20 =	sadd.s32 $0x1, s20;
	[tilespmem:v1+s4+$0x0] =	vst.idx.add.f32.msk $0xffff, v63;
	v1 =	vpop (erf)  }
0xa0: {  	s5 =	simm.s32 $0x0;
	s8 =	simm.s32 $0x198F0;
	s11 =	simm.s32 $0xA0;
	[tilespmem:v3+s4+$0x0] =	vst.idx.add.f32.msk $0xffff, v1  }
.LBB2_8:
0xa1: {  	s12 =	sand.u32 $0xFE0, s11;
	v1 =	vld [tilespmem:s8+$0x40];
	s5 =	sadd.s32 $0xA, s5  }
0xa2: {  	v2 =	vld [tilespmem:s12+$0x19880];
	p0 =	slt.u32 s5, $0xF0  }
0xa3: {  	v3 =	vld [tilespmem:s8+$0xFFFFFFB0]  }
0xa4: {  	v4 =	vld [tilespmem:s8+$0xFFFFFFC0]  }
0xa5: {  	v5 =	vld [tilespmem:s8+$0xFFFFFFD0]  }
0xa6: {  	v6 =	vld [tilespmem:s8+$0xFFFFFFE0];
	v1 =	vmul.f32 $1.442695020e+00, v1  }
0xa7: {  	v7 =	vld [tilespmem:s8+$0xFFFFFFF0];
	v2 =	vmul.f32 $1.442695020e+00, v2  }
0xa8: {  	v3 =	vmul.f32 $1.442695020e+00, v3;
	v8 =	vld [tilespmem:s8+$0x0];
	(erf) = vpow2.f32 v1  }
0xa9: {  	s7 =	sadd.s32 $0xA0, s7;
	v1 =	vmul.f32 $1.442695020e+00, v4;
	v4 =	vld [tilespmem:s8+$0x10];
	(erf) = vpow2.f32 v2  }
0xaa: {  	v2 =	vmul.f32 $1.442695020e+00, v5;
	v5 =	vld [tilespmem:s7+$0x40];
	(erf) = vpow2.f32 v3  }
0xab: {  	v3 =	vmul.f32 $1.442695020e+00, v6;
	v6 =	vld [tilespmem:s12+$0x1B880];
	(erf) = vpow2.f32 v1  }
0xac: {  	v1 =	vmul.f32 $1.442695020e+00, v7;
	v7 =	vld [tilespmem:s8+$0x20];
	(erf) = vpow2.f32 v2  }
0xad: {  	v2 =	vld [tilespmem:s7+$0xFFFFFFC0];
	v8 =	vmul.f32 $1.442695020e+00, v8;
	(erf) = vpow2.f32 v3  }
0xae: {  	v3 =	vld [tilespmem:s7+$0xFFFFFFD0];
	v4 =	vmul.f32 $1.442695020e+00, v4;
	(erf) = vpow2.f32 v1  }
0xaf: {  	v1 =	vld [tilespmem:s7+$0xFFFFFFE0];
	(erf) = vpow2.f32 v8  }
0xb0: {  	v8 =	vld [tilespmem:s7+$0xFFFFFFF0];
	(erf) = vpow2.f32 v4  }
0xb1: {  	v4 =	vld [tilespmem:s7+$0x0];
	v10 =	vmul.f32 $1.442695020e+00, v7;
	v9 =	vpop (erf)  }
0xb2: {  	[tilespmem:v5+s4+$0x0] =	vst.idx.add.f32.msk $0xffff, v9;
	v5 =	vpop (erf)  }
0xb3: {  	[tilespmem:v6+s4+$0x0] =	vst.idx.add.f32.msk $0xffff, v5;
	v5 =	vpop (erf);
	(erf) = vpow2.f32 v10  }
0xb4: {  	v6 =	vld [tilespmem:s7+$0x10];
	v7 =	vpop (erf)  }
0xb5: {  	v9 =	vld [tilespmem:s7+$0x20];
	v10 =	vpop (erf)  }
0xb6: {  	v11 =	vld [tilespmem:s7+$0xFFFFFFB0];
	v12 =	vpop (erf)  }
0xb7: {  	[tilespmem:v2+s4+$0x0] =	vst.idx.add.f32.msk $0xffff, v7;
	v2 =	vpop (erf)  }
0xb8: {  	[tilespmem:v3+s4+$0x0] =	vst.idx.add.f32.msk $0xffff, v10;
	v3 =	vpop (erf)  }
0xb9: {  	[tilespmem:v1+s4+$0x0] =	vst.idx.add.f32.msk $0xffff, v12;
	v1 =	vpop (erf)  }
.Ltmp2:
0xba: {  	[tilespmem:v8+s4+$0x0] =	vst.idx.add.f32.msk $0xffff, v2;
	(pc) =	sbr.rel @p0 .LBB2_8-.Ltmp2, $4  }
0xbb: {  	[tilespmem:v4+s4+$0x0] =	vst.idx.add.f32.msk $0xffff, v3  }
0xbc: {  	[tilespmem:v6+s4+$0x0] =	vst.idx.add.f32.msk $0xffff, v1;
	v1 =	vpop (erf)  }
0xbd: {  	[tilespmem:v9+s4+$0x0] =	vst.idx.add.f32.msk $0xffff, v1  }
0xbe: {  	s11 =	sadd.s32 $0xA0, s11;
	s8 =	sadd.s32 $0xA0, s8;
	[tilespmem:v11+s4+$0x0] =	vst.idx.add.f32.msk $0xffff, v5  }
0xbf: {  	p0 =	seq.s32 s20, $0x19  }
.Ltmp3:
0xc0: {  	_ = 	snop;
	(pc) =	sbr.rel @!p0 .LBB2_5-.Ltmp3, $1  }
0xc1: {  	_ =	sdelay $0x3  }
0xc2: {  	s0 =	rddreg [dreg:$0x7]  }
0xc3: {  	s5 =	rddreg [dreg:$0x8]  }
0xc4: {  	[spmem:s0] =	stream.strided.scatter [tilespmem:s5], [sflag:$0x5], $0x1880, s29, s28, $0x38;
	[tilespmem:$0x1F900] =	vst v63  }
0xc5: {  	_ =	swait.ge [sflag:s30], $0x1880  }
0xc6: {  	[sflag:s30] =	ssyncset.done $0x0  }
0xc7: {  	s0 =	simm.s32 $0x1;
	[sflag:s30] =	ssyncadd.s32 $0xFFFFE780  }
.LBB2_11:
0xc8: {  	s20 =	sand.u32 $0x1, s0  }
0xc9: {  	s5 =	smov.u32 s0;
	s0 =	simm.s32 $0x18800;
	p0 =	seq.s32 s20, $0x1  }
0xca: {  	s0 =	simm.s32 @!p0 $0x0  }
0xcb: {  	s0 =	sadd.s32 s0, s14  }
0xcc: {  	[bflag:$0x0] =	sbarrier.arrive $0xFFFF;
	s0 =	sadd.s32 s13, s0  }
0xcd: {  	[tilespmem:s19], [sflag:$0x1] =	stream.strided.gather [spmem:s0], $0xC80, s29, s28, $0x38;
	[tilespmem:$0x1F900] =	vst v63  }
0xce: {  	s0 =	sadd.s32 $0x6400, s0  }
0xcf: {  	[tilespmem:s21], [sflag:$0x2] =	stream.strided.gather [spmem:s0], $0xC00, s29, s28, $0x38;
	[tilespmem:$0x1F900] =	vst v63  }
0xd0: {  	p0 =	seq.s32 s5, $0xF;
	s0 =	sadd.s32 $0x1, s5  }
0xd1: {  	s5 =	sadd.s32 @!p0 s3, s0  }
0xd2: {  	s8 =	sand.u32 @!p0 $0x1, s0;
	s7 =	sand.u32 @!p0 $0xF, s5  }
0xd3: {  	p1 =	seq.s32 @!p0 s8, $0x1;
	s11 =	sshrl.u32 @!p0 s7, $0x3  }
0xd4: {  	s8 =	simm.s32 @!p0 $0x18800;
	p1 =	por !p1, p0;
	s11 =	smul.u32 @!p0 $0x31000, s11  }
0xd5: {  	s7 =	smul.u32 @!p0 $0x6200, s7;
	s8 =	simm.s32 @p1 $0x0  }
0xd6: {  	s5 =	sshll.u32 @!p0 s5, $0x7;
	s8 =	sadd.s32 @!p0 s8, s2;
	s11 =	sshrl.u32 @!p0 s11, $0x2  }
0xd7: {  	s5 =	sand.u32 @!p0 $0x380, s5;
	s7 =	sshrl.u32 @!p0 s7, $0x2;
	s8 =	sadd.s32 @!p0 s11, s8  }
0xd8: {  	s11 =	simm.s32 @!p0 $0x400;
	s5 =	sadd.s32 @!p0 s5, s8;
	s8 =	simm.s32 @!p0 $0x80  }
0xd9: {  	[spmem:s5] =	stream.strided.scatter @!p0 [tilespmem:s7], [sflag:$0x5], $0x1880, s11, s8, $0x38;
	[tilespmem:$0x1F900] =	vst v63  }
0xda: {  	s5 =	simm.s32 @!p0 $0x5  }
0xdb: {  	_ =	swait.ge @!p0 [sflag:s5], $0x1880  }
0xdc: {  	[sflag:s5] =	ssyncset.done @!p0 $0x0  }
0xdd: {  	[sflag:s5] =	ssyncadd.s32 @!p0 $0xFFFFE780  }
0xde: {  	_ =	swait.ge [sflag:s23], $0xC80  }
0xdf: {  	[sflag:s23] =	ssyncset.done $0x0  }
0xe0: {  	[sflag:s23] =	ssyncadd.s32 $0xFFFFF380  }
0xe1: {  	s5 =	simm.s32 $0x18840;
	v2 =	vld [tilespmem:s17+$0x30]  }
0xe2: {  	v3 =	vld [tilespmem:s5+$0x30]  }
0xe3: {  	v1 =	vld [tilespmem:s5+$0xFFFFFFC0]  }
0xe4: {  	v4 =	vld [tilespmem:s17+$0xFFFFFFD0]  }
0xe5: {  	v5 =	vld [tilespmem:s5+$0xFFFFFFD0]  }
0xe6: {  	v6 =	vld [tilespmem:s17+$0xFFFFFFE0]  }
0xe7: {  	v7 =	vld [tilespmem:s5+$0xFFFFFFE0]  }
0xe8: {  	v8 =	vld [tilespmem:s17+$0xFFFFFFF0]  }
0xe9: {  	v9 =	vld [tilespmem:s5+$0xFFFFFFF0]  }
0xea: {  	v10 =	vld [tilespmem:s17+$0x0]  }
0xeb: {  	v11 =	vld [tilespmem:s5+$0x0];
	v3 =	vadd.f32 v3, v2  }
0xec: {  	v5 =	vadd.f32 v5, v4;
	v2 =	vld [tilespmem:s17+$0x10]  }
0xed: {  	v6 =	vadd.f32 v7, v6;
	v4 =	vld [tilespmem:s5+$0x10];
	[tilespmem:s17+$0x30] =	vst v3  }
0xee: {  	v7 =	vadd.f32 v9, v8;
	[tilespmem:s17+$0xFFFFFFD0] =	vst v5;
	v3 =	vld [tilespmem:s17+$0x20]  }
0xef: {  	[tilespmem:s17+$0xFFFFFFE0] =	vst v6;
	v6 =	vld [tilespmem:s5+$0x20]  }
0xf0: {  	s8 =	simm.s32 $0x0;
	s11 =	sadd.s32 $0x80, s17;
	s7 =	smov.u32 s17;
	v5 =	vld [tilespmem:s17+$0xFFFFFFC0];
	[tilespmem:s17+$0xFFFFFFF0] =	vst v7;
	v7 =	vadd.f32 v11, v10  }
.LBB2_12:
0xf1: {  	v8 =	vld [tilespmem:s11+$0x30];
	s5 =	sadd.s32 $0x80, s5  }
0xf2: {  	s8 =	sadd.s32 $0x8, s8;
	v9 =	vld [tilespmem:s5+$0x30];
	[tilespmem:s7+$0x0] =	vst v7;
	v2 =	vadd.f32 v4, v2  }
0xf3: {  	p0 =	slt.u32 s8, $0xC0;
	v4 =	vld [tilespmem:s5+$0xFFFFFFC0]  }
0xf4: {  	v7 =	vld [tilespmem:s11+$0xFFFFFFD0];
	[tilespmem:s7+$0x10] =	vst v2;
	v2 =	vadd.f32 v6, v3  }
0xf5: {  	v3 =	vld [tilespmem:s5+$0xFFFFFFD0];
	v10 =	vadd.f32 v1, v5  }
0xf6: {  	v5 =	vld [tilespmem:s11+$0xFFFFFFE0];
	[tilespmem:s7+$0x20] =	vst v2  }
0xf7: {  	v2 =	vld [tilespmem:s5+$0xFFFFFFE0];
	v6 =	vadd.f32 v9, v8;
	[tilespmem:s7+$0xFFFFFFC0] =	vst v10;
	s7 =	smov.u32 s11  }
0xf8: {  	v8 =	vld [tilespmem:s11+$0xFFFFFFF0];
	v1 =	vmov v4  }
0xf9: {  	v9 =	vld [tilespmem:s5+$0xFFFFFFF0];
	[tilespmem:s11+$0x30] =	vst v6  }
0xfa: {  	v3 =	vadd.f32 v3, v7;
	v7 =	vld [tilespmem:s11+$0x0]  }
0xfb: {  	v10 =	vld [tilespmem:s5+$0x0]  }
.Ltmp4:
0xfc: {  	[tilespmem:s11+$0xFFFFFFD0] =	vst v3;
	v3 =	vadd.f32 v2, v5;
	v2 =	vld [tilespmem:s11+$0x10];
	(pc) =	sbr.rel @p0 .LBB2_12-.Ltmp4, $4  }
0xfd: {  	v4 =	vld [tilespmem:s5+$0x10]  }
0xfe: {  	[tilespmem:s11+$0xFFFFFFE0] =	vst v3;
	v8 =	vadd.f32 v9, v8;
	v3 =	vld [tilespmem:s11+$0x20]  }
0xff: {  	v6 =	vld [tilespmem:s5+$0x20]  }
0x100: {  	s11 =	sadd.s32 $0x80, s11;
	v5 =	vld [tilespmem:s7+$0xFFFFFFC0];
	[tilespmem:s7+$0xFFFFFFF0] =	vst v8;
	v7 =	vadd.f32 v10, v7  }
0x101: {  	_ =	sdelay $0x1  }
0x102: {  	v2 =	vadd.f32 v4, v2  }
0x103: {  	[tilespmem:s7+$0x0] =	vst v7;
	v3 =	vadd.f32 v6, v3  }
0x104: {  	[tilespmem:s7+$0x10] =	vst v2;
	v1 =	vadd.f32 v1, v5  }
0x105: {  	[tilespmem:s7+$0x20] =	vst v3  }
0x106: {  	[tilespmem:s7+$0xFFFFFFC0] =	vst v1  }
0x107: {  	_ =	swait.ge [sflag:s25], $0xC00  }
0x108: {  	[sflag:s25] =	ssyncset.done $0x0  }
0x109: {  	[sflag:s25] =	ssyncadd.s32 $0xFFFFF400  }
0x10a: {  	s5 =	simm.s32 $0x19840;
	v2 =	vld [tilespmem:s18+$0x0]  }
0x10b: {  	v3 =	vld [tilespmem:s5+$0x30]  }
0x10c: {  	v1 =	vld [tilespmem:s5+$0xFFFFFFC0]  }
0x10d: {  	v4 =	vld [tilespmem:s18+$0xFFFFFFA0]  }
0x10e: {  	v5 =	vld [tilespmem:s5+$0xFFFFFFD0]  }
0x10f: {  	v6 =	vld [tilespmem:s18+$0xFFFFFFB0]  }
0x110: {  	v7 =	vld [tilespmem:s5+$0xFFFFFFE0]  }
0x111: {  	v8 =	vld [tilespmem:s18+$0xFFFFFFC0]  }
0x112: {  	v9 =	vld [tilespmem:s5+$0xFFFFFFF0]  }
0x113: {  	v10 =	vld [tilespmem:s18+$0xFFFFFFD0]  }
0x114: {  	v11 =	vld [tilespmem:s5+$0x0];
	v3 =	vadd.f32 v3, v2  }
0x115: {  	v5 =	vadd.f32 v5, v4;
	v2 =	vld [tilespmem:s18+$0xFFFFFFE0]  }
0x116: {  	v6 =	vadd.f32 v7, v6;
	v4 =	vld [tilespmem:s5+$0x10];
	[tilespmem:s18+$0x0] =	vst v3  }
0x117: {  	v7 =	vadd.f32 v9, v8;
	[tilespmem:s18+$0xFFFFFFA0] =	vst v5;
	v3 =	vld [tilespmem:s18+$0xFFFFFFF0]  }
0x118: {  	[tilespmem:s18+$0xFFFFFFB0] =	vst v6;
	v6 =	vld [tilespmem:s5+$0x20]  }
0x119: {  	s8 =	simm.s32 $0x0;
	s11 =	sadd.s32 $0x80, s18;
	s7 =	smov.u32 s18;
	v5 =	vld [tilespmem:s18+$0xFFFFFF90];
	[tilespmem:s18+$0xFFFFFFC0] =	vst v7;
	v7 =	vadd.f32 v11, v10  }
.LBB2_14:
0x11a: {  	v8 =	vld [tilespmem:s11+$0x0];
	s5 =	sadd.s32 $0x80, s5  }
0x11b: {  	s8 =	sadd.s32 $0x8, s8;
	v9 =	vld [tilespmem:s5+$0x30];
	[tilespmem:s7+$0xFFFFFFD0] =	vst v7;
	v2 =	vadd.f32 v4, v2  }
0x11c: {  	p0 =	slt.u32 s8, $0xB8;
	v4 =	vld [tilespmem:s5+$0xFFFFFFC0]  }
0x11d: {  	v7 =	vld [tilespmem:s11+$0xFFFFFFA0];
	[tilespmem:s7+$0xFFFFFFE0] =	vst v2;
	v2 =	vadd.f32 v6, v3  }
0x11e: {  	v3 =	vld [tilespmem:s5+$0xFFFFFFD0];
	v10 =	vadd.f32 v1, v5  }
0x11f: {  	v5 =	vld [tilespmem:s11+$0xFFFFFFB0];
	[tilespmem:s7+$0xFFFFFFF0] =	vst v2  }
0x120: {  	v2 =	vld [tilespmem:s5+$0xFFFFFFE0];
	v6 =	vadd.f32 v9, v8;
	[tilespmem:s7+$0xFFFFFF90] =	vst v10;
	s7 =	smov.u32 s11  }
0x121: {  	v8 =	vld [tilespmem:s11+$0xFFFFFFC0];
	v1 =	vmov v4  }
0x122: {  	v9 =	vld [tilespmem:s5+$0xFFFFFFF0];
	[tilespmem:s11+$0x0] =	vst v6  }
0x123: {  	v3 =	vadd.f32 v3, v7;
	v7 =	vld [tilespmem:s11+$0xFFFFFFD0]  }
0x124: {  	v10 =	vld [tilespmem:s5+$0x0]  }
.Ltmp5:
0x125: {  	[tilespmem:s11+$0xFFFFFFA0] =	vst v3;
	v3 =	vadd.f32 v2, v5;
	v2 =	vld [tilespmem:s11+$0xFFFFFFE0];
	(pc) =	sbr.rel @p0 .LBB2_14-.Ltmp5, $4  }
0x126: {  	v4 =	vld [tilespmem:s5+$0x10]  }
0x127: {  	[tilespmem:s11+$0xFFFFFFB0] =	vst v3;
	v8 =	vadd.f32 v9, v8;
	v3 =	vld [tilespmem:s11+$0xFFFFFFF0]  }
0x128: {  	v6 =	vld [tilespmem:s5+$0x20]  }
0x129: {  	s11 =	sadd.s32 $0x80, s11;
	v5 =	vld [tilespmem:s7+$0xFFFFFF90];
	[tilespmem:s7+$0xFFFFFFC0] =	vst v8;
	v7 =	vadd.f32 v10, v7  }
0x12a: {  	_ =	sdelay $0x1  }
0x12b: {  	v2 =	vadd.f32 v4, v2  }
0x12c: {  	[tilespmem:s7+$0xFFFFFFD0] =	vst v7;
	v3 =	vadd.f32 v6, v3  }
0x12d: {  	[tilespmem:s7+$0xFFFFFFE0] =	vst v2;
	v1 =	vadd.f32 v1, v5  }
0x12e: {  	[tilespmem:s7+$0xFFFFFFF0] =	vst v3  }
0x12f: {  	[tilespmem:s7+$0xFFFFFF90] =	vst v1  }
0x130: {  	p0 =	seq.s32 s0, $0x10  }
.Ltmp6:
0x131: {  	_ = 	snop;
	(pc) =	sbr.rel @!p0 .LBB2_11-.Ltmp6, $1  }
0x132: {  	_ =	sdelay $0x3  }
0x133: {  	s31 =	sadd.s32 $0x1, s31  }
0x134: {  	s0 =	rddreg [dreg:$0x4];
	p0 =	sne.s32 s31, s16  }
.Ltmp7:
0x135: {  	s5 =	rddreg [dreg:$0x9];
	(pc) =	sbr.rel @p0 .LBB2_1-.Ltmp7, $4  }
0x136: {  	[hbm4b:s5+s4] =	stream.linear.scatter [tilespmem:s0], [sflag:$0x5], $0x1880, $0x38;
	[tilespmem:$0x1F900] =	vst v63  }
0x137: {  	_ =	swait.ge [sflag:s30], $0x1880  }
0x138: {  	[sflag:s30] =	ssyncset.done $0x0  }
0x139: {  	[sflag:s30] =	ssyncadd.s32 $0xFFFFE780  }
0x13a: {  	_ =	sfence.sel $0x180000  }
0x13b: {  	[bflag:$0x0] =	sbarrier.arrive $0xFFFF  }
0x13c: {  	_ =	strace $0x90000047  }
0x13d: {  	[bflag:$0x2] =	sbarrier.arrive $0xFFFF  }
0x13e: {  	p0 =	sne.s32 s3, $0x0;
	s0 =	rddreg [dreg:$0x3]  }
0x13f: {  	s0 =	sadd.s32 @!p0 $0x100000, s0  }
0x140: {  	[sflag:s0] =	ssyncadd.tile.s32 @!p0 $0x1;
	_ =	shalt  }
.Lfunc_end2:
_tile_overlayer_lowered:
.L_overlay_start_2:
0x141: {  	(tag) =	ssettag $0x2  }
0x142: {  	s0 =	rddreg [dreg:$0x0];
	s2 =	stileid.u32  }
0x143: {  	s1 =	rddreg [dreg:$0x1];
	p0 =	sne.s32 s2, $0x0  }
0x144: {  	s3 =	rddreg [dreg:$0x2];
	[bflag:$0x3] =	sbarrier.arrive $0xFFFF;
	s2 =	simm.s32 @!p0 $0x1C05  }
0x145: {  	[timem:s3], [sflag:s2] =	dma.local @!p0 [hbm:s0], s1  }
0x146: {  	s0 =	simm.s32 @!p0 $0x5  }
0x147: {  	_ =	swait.ge @!p0 [sflag:s0], s1  }
0x148: {  	s1 =	ssub.s32 @!p0 $0x0, s1;
	[sflag:s0] =	ssyncset.done @!p0 $0x0  }
0x149: {  	[sflag:s0] =	ssyncadd.s32 @!p0 s1  }
0x14a: {  	[bflag:$0x3] =	sbarrier.arrive $0xFFFF  }
0x14b: {  	_ =	shalt  }

// kernel: kernel.7.cloned.1.call-start
scs
__scs_entry_jumppad:
0x0: {  	(pc) =	sbr.rel $0x88, $3  }
0x1: {  	(tag) =	ssettag $0x0;
	lr =	simm.s32 $0x1  }
0x2: {  	[smem:$0x3F9F] =	sst lr;
	_ =	strace $0xD0000000  }
0x3: {  	_ = 	snop  }
0x4: {  	_ = 	snop  }
0x5: {  	_ = 	snop  }
0x6: {  	_ = 	snop  }
0x7: {  	_ = 	snop  }
__scs_overlays_trampoline_lowered:
0x8: {  	[smem:$0x3FAE] =	sst s0  }
0x9: {  	[smem:$0x3FAF] =	sst s1  }
0xa: {  	[smem:$0x3FB0] =	sst s2  }
0xb: {  	[smem:$0x3FB1] =	sst s3  }
0xc: {  	[smem:$0x3FB2] =	sst s4  }
0xd: {  	[smem:$0x3FB3] =	sst s5  }
0xe: {  	[smem:$0x3FB4] =	sst s6  }
0xf: {  	[smem:$0x3FB5] =	sst s7  }
0x10: {  	[smem:$0x3FB6] =	sst s8  }
0x11: {  	[smem:$0x3FB7] =	sst s9;
	s0 =	simm.s32 @!p0 $0x0  }
0x12: {  	s1 =	sld [smem:$0x3F9D];
	s0 =	simm.s32 @p0 $0x1  }
0x13: {  	[smem:$0x3FB8] =	sst s0;
	s0 =	simm.s32 @!p1 $0x0  }
0x14: {  	s2 =	sld [smem:$0x3F9C];
	s0 =	simm.s32 @p1 $0x1  }
0x15: {  	[smem:$0x3FB9] =	sst s0;
	s0 =	simm.s32 @!p2 $0x0  }
0x16: {  	s3 =	sld [smem:$0x3FDB];
	s0 =	simm.s32 @p2 $0x1  }
0x17: {  	s4 =	simm.s32 $0x1BF5;
	[smem:$0x3FBB] =	sst s0  }
0x18: {  	s0 =	sld [smem:$0x3F9E];
	_ =	swait.ge [sflag:s4], $0x0  }
0x19: {  	s7 =	sld [smem:$0x3F9F]  }
0x1a: {  	s8 =	sadd.s32 $0xFFFFE003, lr  }
0x1b: {  	s9 =	sadd.s32 $0xFFFFFEF7, lr;
	s5 =	simm.s32 $0xFFFFFFFF;
	p2 =	slt.u32 s8, $0xFFFFF086  }
0x1c: {  	p1 =	slt.u32 s9, $0xF7A;
	s5 =	simm.s32 @!p2 $0x0  }
0x1d: {  	s5 =	simm.s32 @p1 $0x1;
	p0 =	seq.s32 s7, s2  }
0x1e: {  	s7 =	smul.u32 @!p0 $0xF7A, s2;
	p2 =	seq.s32 @!p0 s5, $0x0  }
0x1f: {  	s9 =	smul.u32 $0xF7A, s1;
	s8 =	simm.s32 @!p0 $0x1BF5;
	p2 =	por !p2, p0  }
0x20: {  	[sflag:s8] =	ssyncset.s32 @!p0 $0xFFFFF086;
	s6 =	sadd.s32 @!p0 s3, s7;
	s7 =	simm.s32 @!p0 $0x108  }
0x21: {  	s3 =	sadd.s32 s3, s9;
	s6 =	sadd.s32 @!p0 $0x88, s6;
	s7 =	simm.s32 @p2 $0x1082  }
0x22: {  	[simem:s7], [sflag:s8] =	dma.local @!p0 [hbm:s6], $0xF7A  }
0x23: {  	s9 =	sor.u32 $0xD0000000, s2;
	s6 =	simm.s32 $0x108;
	_ =	swait.ge @!p0 [sflag:s8], $0x0  }
0x24: {  	s3 =	sadd.s32 $0x88, s3;
	s6 =	simm.s32 @!p1 $0x1082;
	[sflag:s4] =	ssyncset.s32 $0xFFFFF086  }
0x25: {  	[simem:s6], [sflag:s4] =	dma.local [hbm:s3], $0xF7A  }
0x26: {  	[smem:$0x3F9F] =	sst s1;
	(tag) =	ssettag s2;
	_ =	strace s9  }
0x27: {  	s1 =	sld [smem:$0x3FAF]  }
0x28: {  	s2 =	sld [smem:$0x3FB0]  }
0x29: {  	s4 =	sld [smem:$0x3FB2]  }
0x2a: {  	p0 =	seq.s32 s5, $0x0;
	s5 =	sld [smem:$0x3FB3]  }
0x2b: {  	s6 =	sld [smem:$0x3FB4]  }
0x2c: {  	s7 =	sld [smem:$0x3FB5]  }
0x2d: {  	s3 =	simm.s32 $0x108;
	s8 =	sld [smem:$0x3FB6]  }
0x2e: {  	s3 =	simm.s32 @!p0 $0x1082;
	s9 =	sld [smem:$0x3FB7]  }
0x2f: {  	lr =	sadd.s32 s0, s3;
	s0 =	sld [smem:$0x3FAE]  }
0x30: {  	s3 =	sld [smem:$0x3FB1]  }
0x31: {  	[smem:$0x3FBA] =	sst s10  }
0x32: {  	s10 =	sld [smem:$0x3FB8];
	_ =	sdelay $0x3  }
0x33: {  	p0 =	seq.s32 s10, $0x1;
	s10 =	sld [smem:$0x3FBA];
	_ =	sdelay $0x3  }
0x34: {  	[smem:$0x3FBA] =	sst s10  }
0x35: {  	s10 =	sld [smem:$0x3FB9];
	_ =	sdelay $0x3  }
0x36: {  	p1 =	seq.s32 s10, $0x1;
	s10 =	sld [smem:$0x3FBA];
	_ =	sdelay $0x3  }
0x37: {  	[smem:$0x3FBA] =	sst s10  }
0x38: {  	s10 =	sld [smem:$0x3FBB]  }
0x39: {  	_ = 	snop;
	(pc) =	sbr.ind lr, $3  }
0x3a: {  	_ = 	snop  }
0x3b: {  	_ = 	snop  }
0x3c: {  	p2 =	seq.s32 s10, $0x1;
	s10 =	sld [smem:$0x3FBA]  }
0x3d: {  	_ =	shalt  }
0x3e: {  	_ =	shalt  }
0x3f: {  	_ =	shalt  }
0x40: {  	_ =	shalt  }
0x41: {  	_ =	shalt  }
0x42: {  	_ =	shalt  }
0x43: {  	_ =	shalt  }
0x44: {  	_ =	shalt  }
0x45: {  	_ =	shalt  }
0x46: {  	_ =	shalt  }
0x47: {  	_ =	shalt  }
0x48: {  	_ =	shalt  }
0x49: {  	_ =	shalt  }
0x4a: {  	_ =	shalt  }
0x4b: {  	_ =	shalt  }
0x4c: {  	_ =	shalt  }
0x4d: {  	_ =	shalt  }
0x4e: {  	_ =	shalt  }
0x4f: {  	_ =	shalt  }
0x50: {  	_ =	shalt  }
0x51: {  	_ =	shalt  }
0x52: {  	_ =	shalt  }
0x53: {  	_ =	shalt  }
0x54: {  	_ =	shalt  }
0x55: {  	_ =	shalt  }
0x56: {  	_ =	shalt  }
0x57: {  	_ =	shalt  }
0x58: {  	_ =	shalt  }
0x59: {  	_ =	shalt  }
0x5a: {  	_ =	shalt  }
0x5b: {  	_ =	shalt  }
0x5c: {  	_ =	shalt  }
0x5d: {  	_ =	shalt  }
0x5e: {  	_ =	shalt  }
0x5f: {  	_ =	shalt  }
0x60: {  	_ =	shalt  }
0x61: {  	_ =	shalt  }
0x62: {  	_ =	shalt  }
0x63: {  	_ =	shalt  }
0x64: {  	_ =	shalt  }
0x65: {  	_ =	shalt  }
0x66: {  	_ =	shalt  }
0x67: {  	_ =	shalt  }
0x68: {  	_ =	shalt  }
0x69: {  	_ =	shalt  }
0x6a: {  	_ =	shalt  }
0x6b: {  	_ =	shalt  }
0x6c: {  	_ =	shalt  }
0x6d: {  	_ =	shalt  }
0x6e: {  	_ =	shalt  }
0x6f: {  	_ =	shalt  }
0x70: {  	_ =	shalt  }
0x71: {  	_ =	shalt  }
0x72: {  	_ =	shalt  }
0x73: {  	_ =	shalt  }
0x74: {  	_ =	shalt  }
0x75: {  	_ =	shalt  }
0x76: {  	_ =	shalt  }
0x77: {  	_ =	shalt  }
0x78: {  	_ =	shalt  }
0x79: {  	_ =	shalt  }
0x7a: {  	_ =	shalt  }
0x7b: {  	_ =	shalt  }
0x7c: {  	_ =	shalt  }
0x7d: {  	_ =	shalt  }
0x7e: {  	_ =	shalt  }
0x7f: {  	_ =	shalt  }
0x80: {  	_ =	shalt  }
0x81: {  	_ =	shalt  }
0x82: {  	_ =	shalt  }
0x83: {  	_ =	shalt  }
0x84: {  	_ =	shalt  }
0x85: {  	_ =	shalt  }
0x86: {  	_ =	shalt  }
0x87: {  	_ =	shalt  }
.Lfunc_end0:
.L_simem_size_0:
called_computation.1_lowered:
.L_overlay_start_0:
0x88: {  	s2 =	sld [smem:$0x3FD9]  }
0x89: {  	s3 =	sld [smem:$0x3FFE];
	_ =	sdelay $0x1  }
0x8a: {  	s1 =	srdreg.scid  }
0x8b: {  	s0 =	sand.u32 $0x1, s1  }
0x8c: {  	s17 =	sshll.u32 s0, $0xA;
	s2 =	sadd.s32 s3, s2  }
0x8d: {  	s2 =	sadd.s32 s2, s17  }
0x8e: {  	[smem:$0x3FC6] =	sst s2  }
0x8f: {  	_ = 	snop  }
0x90: {  	s2 =	sld [smem:$0x3FC9]  }
0x91: {  	s18 =	sld [smem:$0x3FD0];
	(tm) =	ssettm $0x1  }
0x92: {  	s4 =	sld [smem:$0x3FFB];
	_ =	sdelay $0x3  }
0x93: {  	_ =	strace s4  }
0x94: {  	s4 =	sld [smem:$0x3FFC];
	_ =	sdelay $0x3  }
0x95: {  	_ =	strace s4  }
0x96: {  	s4 =	sld [smem:$0x3FFD];
	_ =	sdelay $0x3  }
0x97: {  	_ =	strace s4  }
0x98: {  	_ =	strace $0x8FFFFFFF  }
0x99: {  	s19 =	sld [smem:$0x3FDB];
	_ =	sdelay $0x1  }
0x9a: {  	s5 =	simm.s32 $_scs_section_size  }
0x9b: {  	s6 =	simm.s32 $_size__tile_overlayer_lowered;
	s7 =	simm.s32 $_tile_overlayer_lowered  }
0x9c: {  	s22 =	simm.s32 $0x1BFF;
	s21 =	sshll.u32 s7, $0x1;
	s4 =	sadd.s32 s5, s19  }
0x9d: {  	s8 =	simm.s32 $0x0;
	s20 =	sshll.u32 s6, $0x1;
	s6 =	sadd.s32 s21, s4  }
0x9e: {  	[timem:s8], [sflag:s22] =	dma.local [hbm:s6], s20  }
0x9f: {  	_ =	swait.ge [sflag:s22], s20  }
0xa0: {  	s5 =	ssub.s32 $0x0, s20;
	[sflag:s22] =	ssyncset.done $0x0  }
0xa1: {  	[sflag:s22] =	ssyncadd.s32 s5;
	_ =	sdelay $0x1  }
0xa2: {  	s23 =	simm.s32 $0x1B8B  }
0xa3: {  	_ =	swait.ge [sflag:s23], $0x1  }
0xa4: {  	[sflag:s23] =	ssyncset.done $0x0  }
0xa5: {  	s25 =	simm.s32 $0x1B8E;
	s24 =	sld [smem:$0x3FFE];
	[sflag:s23] =	ssyncadd.s32 $0xFFFFFFFF  }
0xa6: {  	s26 =	simm.s32 $execute0_lowered;
	[smem:$0x3FD2] =	sst s25  }
0xa7: {  	s6 =	sshll.u32 s26, $0x1;
	_ =	strace $0x80000049;
	[dreg:$0x1] =	wrdreg $0xFFFFFFFF  }
0xa8: {  	s28 =	simm.s32 $_size_execute0_lowered;
	s4 =	sadd.s32 s4, s6;
	[dreg:$0x0] =	wrdreg $0x0  }
0xa9: {  	s6 =	sshll.u32 s28, $0x1;
	[dreg:$0x2] =	wrdreg s4  }
0xaa: {  	[dreg:$0x3] =	wrdreg s6  }
0xab: {  	[dreg:$0x4] =	wrdreg $0xC0  }
0xac: {  	_ =	task [dreg:s8], $0x5FFFF  }
0xad: {  	[dreg:$0x1] =	wrdreg $0xFFFFFFFF  }
0xae: {  	[dreg:$0x0] =	wrdreg $0x60  }
0xaf: {  	[dreg:$0x2] =	wrdreg s2  }
0xb0: {  	[dreg:$0x3] =	wrdreg s24  }
0xb1: {  	[dreg:$0x4] =	wrdreg s18  }
0xb2: {  	[dreg:$0x5] =	wrdreg $0x1D8000  }
0xb3: {  	[dreg:$0x6] =	wrdreg $0x9  }
0xb4: {  	_ =	task.clear_ibuf [dreg:s8], $0x7FFFF;
	_ =	strace $0x90000049  }
0xb5: {  	s29 =	simm.s32 $0x9;
	_ =	strace $0x8000004B  }
0xb6: {  	_ =	swait.ge [sflag:s29], $0x1  }
0xb7: {  	[sflag:s29] =	ssyncadd.s32 $0xFFFFFFFF  }
0xb8: {  	_ =	strace $0x9000004B  }
0xb9: {  	_ =	sfence  }
0xba: {  	s30 =	sld [smem:$0x0];
	_ =	sdelay $0x2  }
0xbb: {  	s31 =	sshll.u32 s1, $0xD;
	s1 =	sshrl.u32 s1, $0x2  }
0xbc: {  	s3 =	sand.u32 $0x4000, s31;
	s1 =	sadd.s32 s1, s30  }
0xbd: {  	s0 =	sor.u32 s3, s0;
	s1 =	sshll.u32 s1, $0x11  }
0xbe: {  	s0 =	sor.u32 s1, s0  }
0xbf: {  	s0 =	sadd.s32 $0x8F2B, s0  }
0xc0: {  	[sflag:s0] =	ssyncadd.remote.s32 $0x1  }
0xc1: {  	_ =	sfence.sel $0xFFFF  }
0xc2: {  	[dreg:$0x0] =	wrdreg $0xFFFFFFFF;
	(pc) =	sbr.abs _section_cstart, $3  }
0xc3: {  	[dreg:$0x1] =	wrdreg $0xFFFFFFFF  }
0xc4: {  	_ =	task.clear_ibuf [dreg:s8], $0x2FFFF;
	_ =	strace $0x9FFFFFFF  }
0xc5: {  	(tm) =	ssettm $0x7FFFFFFF  }
tec
execute0_lowered:
.L_overlay_start_1:
0x0: {  	(tag) =	ssettag $0x1  }
0x1: {  	s0 =	rddreg [dreg:$0x0]  }
0x2: {  	s1 =	rddreg [dreg:$0x1]  }
0x3: {  	s2 =	srdreg.scid;
	s3 =	rddreg [dreg:$0x2]  }
0x4: {  	s12 =	rddreg [dreg:$0x3];
	s7 =	stileid.u32  }
0x5: {  	s5 =	simm.s32 $0x0;
	s28 =	simm.s32 $0x5;
	s29 =	simm.s32 $0x6  }
0x6: {  	s30 =	simm.s32 $0x7;
	s31 =	simm.s32 $0x19800;
	s2 =	sand.u32 $0x1, s2  }
0x7: {  	[smem:$0x7FF] =	sst s5;
	s15 =	smul.u32 $0x1880, s7;
	s4 =	sshll.u32 s2, $0x4  }
0x8: {  	_ =	strace $0x8000004A;
	s2 =	ssub.s32 $0x2, s2;
	s4 =	sor.u32 s7, s4  }
0x9: {  	s7 =	sadd.s32 $0x800, s1;
	s1 =	sadd.s32 $0xC3E00, s1;
	s8 =	sshrl.u32 s2, $0x1  }
0xa: {  	s9 =	sshrl.u32 s15, $0x3;
	s19 =	sadd.s32 $0x780, s15;
	s20 =	sadd.s32 s15, s12  }
0xb: {  	s11 =	sadd.s32 $0xF00, s15;
	s6 =	smul.u32 $0x30D40, s4;
	s2 =	ssub.s32 s2, s8  }
0xc: {  	s9 =	sadd.s32 s1, s9;
	[dreg:$0x8] =	wrdreg s20;
	s21 =	sshrl.u32 s19, $0x3  }
0xd: {  	s23 =	sshrl.u32 s11, $0x3;
	s8 =	sadd.s32 s19, s12;
	s4 =	sadd.s32 $0x1680, s15  }
0xe: {  	s18 =	sadd.s32 $0x3100, s9;
	s22 =	sadd.s32 $0x31F0, s9;
	[dreg:$0xb] =	wrdreg s8  }
0xf: {  	s24 =	sadd.s32 s1, s23;
	s25 =	sadd.s32 $0x32E0, s9;
	[dreg:$0x7] =	wrdreg s18  }
0x10: {  	s26 =	sshrl.u32 s4, $0x3;
	s20 =	sadd.s32 $0x33D0, s9;
	[dreg:$0xa] =	wrdreg s22  }
0x11: {  	s23 =	simm.s32 $0x3;
	s8 =	simm.s32 $0x0;
	[dreg:$0xc] =	wrdreg s24  }
0x12: {  	s10 =	sshrl.u32 s6, $0x3;
	[dreg:$0xd] =	wrdreg s25;
	s18 =	sadd.s32 s11, s12  }
0x13: {  	s19 =	sadd.s32 s1, s26;
	s22 =	smax.u32 s2, $0x1;
	s25 =	simm.s32 $0x1C800  }
0x14: {  	s26 =	simm.s32 $0x1D000;
	s2 =	simm.s32 $0x1;
	s16 =	sadd.s32 s0, s10  }
0x15: {  	s24 =	simm.s32 $0x2;
	s17 =	sadd.s32 s7, s10;
	[dreg:$0x5] =	wrdreg s16  }
0x16: {  	s10 =	sadd.s32 s1, s21;
	s21 =	sadd.s32 s4, s12;
	[dreg:$0x6] =	wrdreg s17  }
0x17: {  	s1 =	simm.s32 $0x1B800;
	s4 =	simm.s32 $0x4;
	[dreg:$0x9] =	wrdreg s10  }
.LBB2_1:
0x18: {  	s10 =	rddreg [dreg:$0x5];
	s11 =	simm.s32 $0x18800  }
0x19: {  	[tilespmem:s11], [sflag:$0x1] =	stream.linear.gather [hbm4b:s10+s5], $0xFA0, $0x38;
	[tilespmem:$0x1F080] =	vst v63  }
0x1a: {  	s15 =	rddreg [dreg:$0x6];
	s16 =	simm.s32 $0x1A800  }
0x1b: {  	[tilespmem:s16], [sflag:$0x3] =	stream.linear.gather [hbm4b:s15+s5], $0xFA0, $0x38;
	[tilespmem:$0x1F080] =	vst v63  }
0x1c: {  	_ = 	snop  }
0x1d: {  	[tilespmem:s25], [sflag:$0x5] =	stream.linear.gather [hbm4b:s9+s5], $0x780, $0x38;
	[tilespmem:$0x1F080] =	vst v63  }
0x1e: {  	s17 =	rddreg [dreg:$0x7]  }
0x1f: {  	[tilespmem:s26], [sflag:$0x6] =	stream.linear.gather [hbm4b:s17+s5], $0x780, $0x38;
	[tilespmem:$0x1F080] =	vst v63  }
0x20: {  	_ =	swait.ge [sflag:s28], $0x780  }
0x21: {  	[sflag:s28] =	ssyncset.done $0x0  }
0x22: {  	[sflag:s28] =	ssyncadd.s32 $0xFFFFF880  }
0x23: {  	_ =	swait.ge [sflag:s29], $0x780  }
0x24: {  	[sflag:s29] =	ssyncset.done $0x0  }
0x25: {  	s10 =	simm.s32 $0x1C840;
	[sflag:s29] =	ssyncadd.s32 $0xFFFFF880  }
0x26: {  	s11 =	simm.s32 $0x1D040;
	v1 =	vld [tilespmem:s10+$0x30]  }
0x27: {  	v2 =	vld [tilespmem:s11+$0x30]  }
0x28: {  	v0 =	vld [tilespmem:s11+$0xFFFFFFC0]  }
0x29: {  	v3 =	vld [tilespmem:s10+$0xFFFFFFD0]  }
0x2a: {  	v4 =	vld [tilespmem:s11+$0xFFFFFFD0]  }
0x2b: {  	v5 =	vld [tilespmem:s10+$0xFFFFFFE0]  }
0x2c: {  	v6 =	vld [tilespmem:s11+$0xFFFFFFE0]  }
0x2d: {  	v7 =	vld [tilespmem:s10+$0xFFFFFFF0]  }
0x2e: {  	v8 =	vld [tilespmem:s11+$0xFFFFFFF0]  }
0x2f: {  	v9 =	vld [tilespmem:s10+$0x0]  }
0x30: {  	v10 =	vld [tilespmem:s11+$0x0];
	v2 =	vadd.f32 v2, v1  }
0x31: {  	v4 =	vadd.f32 v4, v3;
	v1 =	vld [tilespmem:s10+$0x10]  }
0x32: {  	v5 =	vadd.f32 v6, v5;
	v3 =	vld [tilespmem:s11+$0x10];
	[tilespmem:s10+$0x30] =	vst v2  }
0x33: {  	v6 =	vadd.f32 v8, v7;
	[tilespmem:s10+$0xFFFFFFD0] =	vst v4;
	v2 =	vld [tilespmem:s10+$0x20]  }
0x34: {  	[tilespmem:s10+$0xFFFFFFE0] =	vst v5;
	v5 =	vld [tilespmem:s11+$0x20]  }
0x35: {  	s12 =	simm.s32 $0x0;
	s13 =	simm.s32 $0x1C8C0;
	v4 =	vld [tilespmem:s10+$0xFFFFFFC0];
	[tilespmem:s10+$0xFFFFFFF0] =	vst v6;
	v6 =	vadd.f32 v10, v9  }
.LBB2_2:
0x36: {  	v7 =	vld [tilespmem:s13+$0x30];
	s11 =	sadd.s32 $0x80, s11  }
0x37: {  	s12 =	sadd.s32 $0x8, s12;
	v8 =	vld [tilespmem:s11+$0x30];
	[tilespmem:s10+$0x0] =	vst v6;
	v1 =	vadd.f32 v3, v1  }
0x38: {  	p0 =	slt.u32 s12, $0x70;
	v3 =	vld [tilespmem:s11+$0xFFFFFFC0]  }
0x39: {  	v6 =	vld [tilespmem:s13+$0xFFFFFFD0];
	[tilespmem:s10+$0x10] =	vst v1;
	v1 =	vadd.f32 v5, v2  }
0x3a: {  	v2 =	vld [tilespmem:s11+$0xFFFFFFD0];
	v9 =	vadd.f32 v0, v4  }
0x3b: {  	v4 =	vld [tilespmem:s13+$0xFFFFFFE0];
	[tilespmem:s10+$0x20] =	vst v1  }
0x3c: {  	v1 =	vld [tilespmem:s11+$0xFFFFFFE0];
	v5 =	vadd.f32 v8, v7;
	[tilespmem:s10+$0xFFFFFFC0] =	vst v9;
	s10 =	smov.u32 s13  }
0x3d: {  	v7 =	vld [tilespmem:s13+$0xFFFFFFF0];
	v0 =	vmov v3  }
0x3e: {  	v8 =	vld [tilespmem:s11+$0xFFFFFFF0];
	[tilespmem:s13+$0x30] =	vst v5  }
0x3f: {  	v2 =	vadd.f32 v2, v6;
	v6 =	vld [tilespmem:s13+$0x0]  }
0x40: {  	v9 =	vld [tilespmem:s11+$0x0]  }
.Ltmp0:
0x41: {  	[tilespmem:s13+$0xFFFFFFD0] =	vst v2;
	v2 =	vadd.f32 v1, v4;
	v1 =	vld [tilespmem:s13+$0x10];
	(pc) =	sbr.rel @p0 .LBB2_2-.Ltmp0, $4  }
0x42: {  	v3 =	vld [tilespmem:s11+$0x10]  }
0x43: {  	[tilespmem:s13+$0xFFFFFFE0] =	vst v2;
	v7 =	vadd.f32 v8, v7;
	v2 =	vld [tilespmem:s13+$0x20]  }
0x44: {  	v5 =	vld [tilespmem:s11+$0x20]  }
0x45: {  	s13 =	sadd.s32 $0x80, s13;
	v4 =	vld [tilespmem:s10+$0xFFFFFFC0];
	[tilespmem:s10+$0xFFFFFFF0] =	vst v7;
	v6 =	vadd.f32 v9, v6  }
0x46: {  	_ =	sdelay $0x1  }
0x47: {  	v1 =	vadd.f32 v3, v1  }
0x48: {  	[tilespmem:s10+$0x0] =	vst v6;
	v2 =	vadd.f32 v5, v2  }
0x49: {  	[tilespmem:s10+$0x10] =	vst v1;
	v0 =	vadd.f32 v0, v4  }
0x4a: {  	[tilespmem:s10+$0x20] =	vst v2  }
0x4b: {  	[tilespmem:s10+$0xFFFFFFC0] =	vst v0  }
0x4c: {  	s10 =	rddreg [dreg:$0x8]  }
0x4d: {  	[spmem:s10] =	stream.linear.scatter [tilespmem:s25], [sflag:$0x7], $0x780, $0x38;
	[tilespmem:$0x1F080] =	vst v63  }
0x4e: {  	_ =	swait.ge [sflag:s30], $0x780  }
0x4f: {  	[sflag:s30] =	ssyncset.done $0x0  }
0x50: {  	s16 =	rddreg [dreg:$0x9];
	[sflag:s30] =	ssyncadd.s32 $0xFFFFF880  }
0x51: {  	[tilespmem:s25], [sflag:$0x5] =	stream.linear.gather [hbm4b:s16+s5], $0x780, $0x38;
	[tilespmem:$0x1F080] =	vst v63  }
0x52: {  	s17 =	rddreg [dreg:$0xa]  }
0x53: {  	[tilespmem:s26], [sflag:$0x6] =	stream.linear.gather [hbm4b:s17+s5], $0x780, $0x38;
	[tilespmem:$0x1F080] =	vst v63  }
0x54: {  	_ =	swait.ge [sflag:s28], $0x780  }
0x55: {  	[sflag:s28] =	ssyncset.done $0x0  }
0x56: {  	[sflag:s28] =	ssyncadd.s32 $0xFFFFF880  }
0x57: {  	_ =	swait.ge [sflag:s29], $0x780  }
0x58: {  	[sflag:s29] =	ssyncset.done $0x0  }
0x59: {  	s10 =	simm.s32 $0x1C840;
	[sflag:s29] =	ssyncadd.s32 $0xFFFFF880  }
0x5a: {  	s11 =	simm.s32 $0x1D040;
	v1 =	vld [tilespmem:s10+$0x30]  }
0x5b: {  	v2 =	vld [tilespmem:s11+$0x30]  }
0x5c: {  	v0 =	vld [tilespmem:s11+$0xFFFFFFC0]  }
0x5d: {  	v3 =	vld [tilespmem:s10+$0xFFFFFFD0]  }
0x5e: {  	v4 =	vld [tilespmem:s11+$0xFFFFFFD0]  }
0x5f: {  	v5 =	vld [tilespmem:s10+$0xFFFFFFE0]  }
0x60: {  	v6 =	vld [tilespmem:s11+$0xFFFFFFE0]  }
0x61: {  	v7 =	vld [tilespmem:s10+$0xFFFFFFF0]  }
0x62: {  	v8 =	vld [tilespmem:s11+$0xFFFFFFF0]  }
0x63: {  	v9 =	vld [tilespmem:s10+$0x0]  }
0x64: {  	v10 =	vld [tilespmem:s11+$0x0];
	v2 =	vadd.f32 v2, v1  }
0x65: {  	v4 =	vadd.f32 v4, v3;
	v1 =	vld [tilespmem:s10+$0x10]  }
0x66: {  	v5 =	vadd.f32 v6, v5;
	v3 =	vld [tilespmem:s11+$0x10];
	[tilespmem:s10+$0x30] =	vst v2  }
0x67: {  	v6 =	vadd.f32 v8, v7;
	[tilespmem:s10+$0xFFFFFFD0] =	vst v4;
	v2 =	vld [tilespmem:s10+$0x20]  }
0x68: {  	[tilespmem:s10+$0xFFFFFFE0] =	vst v5;
	v5 =	vld [tilespmem:s11+$0x20]  }
0x69: {  	s12 =	simm.s32 $0x0;
	s13 =	simm.s32 $0x1C8C0;
	v4 =	vld [tilespmem:s10+$0xFFFFFFC0];
	[tilespmem:s10+$0xFFFFFFF0] =	vst v6;
	v6 =	vadd.f32 v10, v9  }
.LBB2_4:
0x6a: {  	v7 =	vld [tilespmem:s13+$0x30];
	s11 =	sadd.s32 $0x80, s11  }
0x6b: {  	s12 =	sadd.s32 $0x8, s12;
	v8 =	vld [tilespmem:s11+$0x30];
	[tilespmem:s10+$0x0] =	vst v6;
	v1 =	vadd.f32 v3, v1  }
0x6c: {  	p0 =	slt.u32 s12, $0x70;
	v3 =	vld [tilespmem:s11+$0xFFFFFFC0]  }
0x6d: {  	v6 =	vld [tilespmem:s13+$0xFFFFFFD0];
	[tilespmem:s10+$0x10] =	vst v1;
	v1 =	vadd.f32 v5, v2  }
0x6e: {  	v2 =	vld [tilespmem:s11+$0xFFFFFFD0];
	v9 =	vadd.f32 v0, v4  }
0x6f: {  	v4 =	vld [tilespmem:s13+$0xFFFFFFE0];
	[tilespmem:s10+$0x20] =	vst v1  }
0x70: {  	v1 =	vld [tilespmem:s11+$0xFFFFFFE0];
	v5 =	vadd.f32 v8, v7;
	[tilespmem:s10+$0xFFFFFFC0] =	vst v9;
	s10 =	smov.u32 s13  }
0x71: {  	v7 =	vld [tilespmem:s13+$0xFFFFFFF0];
	v0 =	vmov v3  }
0x72: {  	v8 =	vld [tilespmem:s11+$0xFFFFFFF0];
	[tilespmem:s13+$0x30] =	vst v5  }
0x73: {  	v2 =	vadd.f32 v2, v6;
	v6 =	vld [tilespmem:s13+$0x0]  }
0x74: {  	v9 =	vld [tilespmem:s11+$0x0]  }
.Ltmp1:
0x75: {  	[tilespmem:s13+$0xFFFFFFD0] =	vst v2;
	v2 =	vadd.f32 v1, v4;
	v1 =	vld [tilespmem:s13+$0x10];
	(pc) =	sbr.rel @p0 .LBB2_4-.Ltmp1, $4  }
0x76: {  	v3 =	vld [tilespmem:s11+$0x10]  }
0x77: {  	[tilespmem:s13+$0xFFFFFFE0] =	vst v2;
	v7 =	vadd.f32 v8, v7;
	v2 =	vld [tilespmem:s13+$0x20]  }
0x78: {  	v5 =	vld [tilespmem:s11+$0x20]  }
0x79: {  	s13 =	sadd.s32 $0x80, s13;
	v4 =	vld [tilespmem:s10+$0xFFFFFFC0];
	[tilespmem:s10+$0xFFFFFFF0] =	vst v7;
	v6 =	vadd.f32 v9, v6  }
0x7a: {  	_ =	sdelay $0x1  }
0x7b: {  	v1 =	vadd.f32 v3, v1  }
0x7c: {  	[tilespmem:s10+$0x0] =	vst v6;
	v2 =	vadd.f32 v5, v2  }
0x7d: {  	[tilespmem:s10+$0x10] =	vst v1;
	v0 =	vadd.f32 v0, v4  }
0x7e: {  	[tilespmem:s10+$0x20] =	vst v2  }
0x7f: {  	[tilespmem:s10+$0xFFFFFFC0] =	vst v0  }
0x80: {  	s10 =	rddreg [dreg:$0xb]  }
0x81: {  	[spmem:s10] =	stream.linear.scatter [tilespmem:s25], [sflag:$0x7], $0x780, $0x38;
	[tilespmem:$0x1F080] =	vst v63  }
0x82: {  	_ =	swait.ge [sflag:s30], $0x780  }
0x83: {  	[sflag:s30] =	ssyncset.done $0x0  }
0x84: {  	s16 =	rddreg [dreg:$0xc];
	[sflag:s30] =	ssyncadd.s32 $0xFFFFF880  }
0x85: {  	[tilespmem:s25], [sflag:$0x5] =	stream.linear.gather [hbm4b:s16+s5], $0x780, $0x38;
	[tilespmem:$0x1F080] =	vst v63  }
0x86: {  	s17 =	rddreg [dreg:$0xd]  }
0x87: {  	[tilespmem:s26], [sflag:$0x6] =	stream.linear.gather [hbm4b:s17+s5], $0x780, $0x38;
	[tilespmem:$0x1F080] =	vst v63  }
0x88: {  	_ =	swait.ge [sflag:s28], $0x780  }
0x89: {  	[sflag:s28] =	ssyncset.done $0x0  }
0x8a: {  	[sflag:s28] =	ssyncadd.s32 $0xFFFFF880  }
0x8b: {  	_ =	swait.ge [sflag:s29], $0x780  }
0x8c: {  	[sflag:s29] =	ssyncset.done $0x0  }
0x8d: {  	s10 =	simm.s32 $0x1C840;
	[sflag:s29] =	ssyncadd.s32 $0xFFFFF880  }
0x8e: {  	s11 =	simm.s32 $0x1D040;
	v1 =	vld [tilespmem:s10+$0x30]  }
0x8f: {  	v2 =	vld [tilespmem:s11+$0x30]  }
0x90: {  	v0 =	vld [tilespmem:s11+$0xFFFFFFC0]  }
0x91: {  	v3 =	vld [tilespmem:s10+$0xFFFFFFD0]  }
0x92: {  	v4 =	vld [tilespmem:s11+$0xFFFFFFD0]  }
0x93: {  	v5 =	vld [tilespmem:s10+$0xFFFFFFE0]  }
0x94: {  	v6 =	vld [tilespmem:s11+$0xFFFFFFE0]  }
0x95: {  	v7 =	vld [tilespmem:s10+$0xFFFFFFF0]  }
0x96: {  	v8 =	vld [tilespmem:s11+$0xFFFFFFF0]  }
0x97: {  	v9 =	vld [tilespmem:s10+$0x0]  }
0x98: {  	v10 =	vld [tilespmem:s11+$0x0];
	v2 =	vadd.f32 v2, v1  }
0x99: {  	v4 =	vadd.f32 v4, v3;
	v1 =	vld [tilespmem:s10+$0x10]  }
0x9a: {  	v5 =	vadd.f32 v6, v5;
	v3 =	vld [tilespmem:s11+$0x10];
	[tilespmem:s10+$0x30] =	vst v2  }
0x9b: {  	v6 =	vadd.f32 v8, v7;
	[tilespmem:s10+$0xFFFFFFD0] =	vst v4;
	v2 =	vld [tilespmem:s10+$0x20]  }
0x9c: {  	[tilespmem:s10+$0xFFFFFFE0] =	vst v5;
	v5 =	vld [tilespmem:s11+$0x20]  }
0x9d: {  	s12 =	simm.s32 $0x0;
	s13 =	simm.s32 $0x1C8C0;
	v4 =	vld [tilespmem:s10+$0xFFFFFFC0];
	[tilespmem:s10+$0xFFFFFFF0] =	vst v6;
	v6 =	vadd.f32 v10, v9  }
.LBB2_6:
0x9e: {  	v7 =	vld [tilespmem:s13+$0x30];
	s11 =	sadd.s32 $0x80, s11  }
0x9f: {  	s12 =	sadd.s32 $0x8, s12;
	v8 =	vld [tilespmem:s11+$0x30];
	[tilespmem:s10+$0x0] =	vst v6;
	v1 =	vadd.f32 v3, v1  }
0xa0: {  	p0 =	slt.u32 s12, $0x70;
	v3 =	vld [tilespmem:s11+$0xFFFFFFC0]  }
0xa1: {  	v6 =	vld [tilespmem:s13+$0xFFFFFFD0];
	[tilespmem:s10+$0x10] =	vst v1;
	v1 =	vadd.f32 v5, v2  }
0xa2: {  	v2 =	vld [tilespmem:s11+$0xFFFFFFD0];
	v9 =	vadd.f32 v0, v4  }
0xa3: {  	v4 =	vld [tilespmem:s13+$0xFFFFFFE0];
	[tilespmem:s10+$0x20] =	vst v1  }
0xa4: {  	v1 =	vld [tilespmem:s11+$0xFFFFFFE0];
	v5 =	vadd.f32 v8, v7;
	[tilespmem:s10+$0xFFFFFFC0] =	vst v9;
	s10 =	smov.u32 s13  }
0xa5: {  	v7 =	vld [tilespmem:s13+$0xFFFFFFF0];
	v0 =	vmov v3  }
0xa6: {  	v8 =	vld [tilespmem:s11+$0xFFFFFFF0];
	[tilespmem:s13+$0x30] =	vst v5  }
0xa7: {  	v2 =	vadd.f32 v2, v6;
	v6 =	vld [tilespmem:s13+$0x0]  }
0xa8: {  	v9 =	vld [tilespmem:s11+$0x0]  }
.Ltmp2:
0xa9: {  	[tilespmem:s13+$0xFFFFFFD0] =	vst v2;
	v2 =	vadd.f32 v1, v4;
	v1 =	vld [tilespmem:s13+$0x10];
	(pc) =	sbr.rel @p0 .LBB2_6-.Ltmp2, $4  }
0xaa: {  	v3 =	vld [tilespmem:s11+$0x10]  }
0xab: {  	[tilespmem:s13+$0xFFFFFFE0] =	vst v2;
	v7 =	vadd.f32 v8, v7;
	v2 =	vld [tilespmem:s13+$0x20]  }
0xac: {  	v5 =	vld [tilespmem:s11+$0x20]  }
0xad: {  	s13 =	sadd.s32 $0x80, s13;
	v4 =	vld [tilespmem:s10+$0xFFFFFFC0];
	[tilespmem:s10+$0xFFFFFFF0] =	vst v7;
	v6 =	vadd.f32 v9, v6  }
0xae: {  	_ =	sdelay $0x1  }
0xaf: {  	v1 =	vadd.f32 v3, v1  }
0xb0: {  	[tilespmem:s10+$0x0] =	vst v6;
	v2 =	vadd.f32 v5, v2  }
0xb1: {  	[tilespmem:s10+$0x10] =	vst v1;
	v0 =	vadd.f32 v0, v4  }
0xb2: {  	[tilespmem:s10+$0x20] =	vst v2  }
0xb3: {  	[tilespmem:s10+$0xFFFFFFC0] =	vst v0  }
0xb4: {  	[spmem:s18] =	stream.linear.scatter [tilespmem:s25], [sflag:$0x7], $0x780, $0x38;
	[tilespmem:$0x1F080] =	vst v63  }
0xb5: {  	_ =	swait.ge [sflag:s30], $0x780  }
0xb6: {  	[sflag:s30] =	ssyncset.done $0x0  }
0xb7: {  	[sflag:s30] =	ssyncadd.s32 $0xFFFFF880  }
0xb8: {  	[tilespmem:s25], [sflag:$0x5] =	stream.linear.gather [hbm4b:s19+s5], $0x200, $0x38;
	[tilespmem:$0x1F080] =	vst v63  }
0xb9: {  	_ = 	snop  }
0xba: {  	[tilespmem:s26], [sflag:$0x6] =	stream.linear.gather [hbm4b:s20+s5], $0x200, $0x38;
	[tilespmem:$0x1F080] =	vst v63  }
0xbb: {  	_ =	swait.ge [sflag:s28], $0x200  }
0xbc: {  	[sflag:s28] =	ssyncset.done $0x0  }
0xbd: {  	[sflag:s28] =	ssyncadd.s32 $0xFFFFFE00  }
0xbe: {  	_ =	swait.ge [sflag:s29], $0x200  }
0xbf: {  	[sflag:s29] =	ssyncset.done $0x0  }
0xc0: {  	s10 =	simm.s32 $0x1C840;
	[sflag:s29] =	ssyncadd.s32 $0xFFFFFE00  }
0xc1: {  	s11 =	simm.s32 $0x1D040;
	v1 =	vld [tilespmem:s10+$0x30]  }
0xc2: {  	v2 =	vld [tilespmem:s11+$0x30]  }
0xc3: {  	v0 =	vld [tilespmem:s11+$0xFFFFFFC0]  }
0xc4: {  	v3 =	vld [tilespmem:s10+$0xFFFFFFD0]  }
0xc5: {  	v4 =	vld [tilespmem:s11+$0xFFFFFFD0]  }
0xc6: {  	v5 =	vld [tilespmem:s10+$0xFFFFFFE0]  }
0xc7: {  	v6 =	vld [tilespmem:s11+$0xFFFFFFE0]  }
0xc8: {  	v7 =	vld [tilespmem:s10+$0xFFFFFFF0]  }
0xc9: {  	v8 =	vld [tilespmem:s11+$0xFFFFFFF0]  }
0xca: {  	v9 =	vld [tilespmem:s10+$0x0]  }
0xcb: {  	v10 =	vld [tilespmem:s11+$0x0];
	v2 =	vadd.f32 v2, v1  }
0xcc: {  	v4 =	vadd.f32 v4, v3;
	v1 =	vld [tilespmem:s10+$0x10]  }
0xcd: {  	v5 =	vadd.f32 v6, v5;
	v3 =	vld [tilespmem:s11+$0x10];
	[tilespmem:s10+$0x30] =	vst v2  }
0xce: {  	v6 =	vadd.f32 v8, v7;
	[tilespmem:s10+$0xFFFFFFD0] =	vst v4;
	v2 =	vld [tilespmem:s10+$0x20]  }
0xcf: {  	[tilespmem:s10+$0xFFFFFFE0] =	vst v5;
	v5 =	vld [tilespmem:s11+$0x20]  }
0xd0: {  	s12 =	simm.s32 $0x0;
	s13 =	simm.s32 $0x1C8C0;
	v4 =	vld [tilespmem:s10+$0xFFFFFFC0];
	[tilespmem:s10+$0xFFFFFFF0] =	vst v6;
	v6 =	vadd.f32 v10, v9  }
.LBB2_8:
0xd1: {  	v7 =	vld [tilespmem:s13+$0x30];
	s11 =	sadd.s32 $0x80, s11  }
0xd2: {  	s12 =	sadd.s32 $0x8, s12;
	v8 =	vld [tilespmem:s11+$0x30];
	[tilespmem:s10+$0x0] =	vst v6;
	v1 =	vadd.f32 v3, v1  }
0xd3: {  	p0 =	slt.u32 s12, $0x18;
	v3 =	vld [tilespmem:s11+$0xFFFFFFC0]  }
0xd4: {  	v6 =	vld [tilespmem:s13+$0xFFFFFFD0];
	[tilespmem:s10+$0x10] =	vst v1;
	v1 =	vadd.f32 v5, v2  }
0xd5: {  	v2 =	vld [tilespmem:s11+$0xFFFFFFD0];
	v9 =	vadd.f32 v0, v4  }
0xd6: {  	v4 =	vld [tilespmem:s13+$0xFFFFFFE0];
	[tilespmem:s10+$0x20] =	vst v1  }
0xd7: {  	v1 =	vld [tilespmem:s11+$0xFFFFFFE0];
	v5 =	vadd.f32 v8, v7;
	[tilespmem:s10+$0xFFFFFFC0] =	vst v9;
	s10 =	smov.u32 s13  }
0xd8: {  	v7 =	vld [tilespmem:s13+$0xFFFFFFF0];
	v0 =	vmov v3  }
0xd9: {  	v8 =	vld [tilespmem:s11+$0xFFFFFFF0];
	[tilespmem:s13+$0x30] =	vst v5  }
0xda: {  	v2 =	vadd.f32 v2, v6;
	v6 =	vld [tilespmem:s13+$0x0]  }
0xdb: {  	v9 =	vld [tilespmem:s11+$0x0]  }
.Ltmp3:
0xdc: {  	[tilespmem:s13+$0xFFFFFFD0] =	vst v2;
	v2 =	vadd.f32 v1, v4;
	v1 =	vld [tilespmem:s13+$0x10];
	(pc) =	sbr.rel @p0 .LBB2_8-.Ltmp3, $4  }
0xdd: {  	v3 =	vld [tilespmem:s11+$0x10]  }
0xde: {  	[tilespmem:s13+$0xFFFFFFE0] =	vst v2;
	v7 =	vadd.f32 v8, v7;
	v2 =	vld [tilespmem:s13+$0x20]  }
0xdf: {  	v5 =	vld [tilespmem:s11+$0x20]  }
0xe0: {  	s13 =	sadd.s32 $0x80, s13;
	v4 =	vld [tilespmem:s10+$0xFFFFFFC0];
	[tilespmem:s10+$0xFFFFFFF0] =	vst v7;
	v6 =	vadd.f32 v9, v6  }
0xe1: {  	_ =	sdelay $0x1  }
0xe2: {  	v1 =	vadd.f32 v3, v1  }
0xe3: {  	[tilespmem:s10+$0x0] =	vst v6;
	v2 =	vadd.f32 v5, v2  }
0xe4: {  	[tilespmem:s10+$0x10] =	vst v1;
	v0 =	vadd.f32 v0, v4  }
0xe5: {  	[tilespmem:s10+$0x20] =	vst v2  }
0xe6: {  	[tilespmem:s10+$0xFFFFFFC0] =	vst v0  }
0xe7: {  	[spmem:s21] =	stream.linear.scatter [tilespmem:s25], [sflag:$0x7], $0x200, $0x38;
	[tilespmem:$0x1F080] =	vst v63  }
0xe8: {  	_ =	swait.ge [sflag:s30], $0x200  }
0xe9: {  	[sflag:s30] =	ssyncset.done $0x0  }
0xea: {  	[sflag:s30] =	ssyncadd.s32 $0xFFFFFE00  }
0xeb: {  	[bflag:$0x0] =	sbarrier.arrive $0xFFFF  }
0xec: {  	s11 =	simm.s32 $0x0;
	s17 =	rddreg [dreg:$0x3]  }
0xed: {  	[tilespmem:s11], [sflag:$0x7] =	stream.linear.gather [spmem:s17], $0x18800, $0x38;
	[tilespmem:$0x1F080] =	vst v63  }
0xee: {  	_ =	swait.ge [sflag:s30], $0x18800  }
0xef: {  	[sflag:s30] =	ssyncset.done $0x0  }
0xf0: {  	[sflag:s30] =	ssyncadd.s32 $0xFFFE7800  }
.LBB2_10:
0xf1: {  	s10 =	smul.u32 $0x1F40, s11;
	_ =	sdelay $0x1  }
0xf2: {  	s13 =	sadd.s32 s6, s10  }
0xf3: {  	s10 =	sshrl.u32 s13, $0x3  }
0xf4: {  	s12 =	sadd.s32 $0x1F4, s10  }
0xf5: {  	s14 =	sadd.s32 s0, s12  }
0xf6: {  	[tilespmem:s31], [sflag:$0x2] =	stream.linear.gather [hbm4b:s14+s5], $0xFA0, $0x38;
	[tilespmem:$0x1F080] =	vst v63  }
0xf7: {  	s15 =	sadd.s32 s7, s12  }
0xf8: {  	[tilespmem:s1], [sflag:$0x4] =	stream.linear.gather [hbm4b:s15+s5], $0xFA0, $0x38;
	[tilespmem:$0x1F080] =	vst v63  }
0xf9: {  	_ =	swait.ge [sflag:s2], $0xFA0  }
0xfa: {  	[sflag:s2] =	ssyncset.done $0x0  }
0xfb: {  	[sflag:s2] =	ssyncadd.s32 $0xFFFFF060  }
0xfc: {  	_ =	swait.ge [sflag:s23], $0xFA0  }
0xfd: {  	p0 =	seq.s32 s11, $0x0;
	[sflag:s23] =	ssyncset.done $0x0  }
0xfe: {  	s14 =	simm.s32 @!p0 $0x5;
	[sflag:s23] =	ssyncadd.s32 $0xFFFFF060  }
0xff: {  	_ =	swait.ge @!p0 [sflag:s14], $0x7D0  }
0x100: {  	[sflag:s14] =	ssyncset.done @!p0 $0x0  }
0x101: {  	s16 =	simm.s32 $0x1A820;
	[sflag:s14] =	ssyncadd.s32 @!p0 $0xFFFFF830  }
0x102: {  	v0 =	vld [tilespmem:s16+$0x20]  }
0x103: {  	v1 =	vld [tilespmem:s16+$0xFFFFFFF0]  }
0x104: {  	v2 =	vld [tilespmem:s16+$0x0]  }
0x105: {  	v3 =	vld [tilespmem:s16+$0x10]  }
0x106: {  	s17 =	simm.s32 $0x18820;
	v4 =	vld [tilespmem:s16+$0xFFFFFFE0]  }
0x107: {  	v5 =	vld [tilespmem:s17+$0x20];
	_ =	sdelay $0x1  }
0x108: {  	v6 =	vld [tilespmem:s17+$0xFFFFFFE0]  }
0x109: {  	v0 =	vld.idx.msk [tilespmem:v0+s5+$0x0], $0xffff  }
0x10a: {  	v1 =	vld.idx.msk [tilespmem:v1+s5+$0x0], $0xffff  }
0x10b: {  	v5 =	vmul.f32 $1.442695020e+00, v5;
	v2 =	vld.idx.msk [tilespmem:v2+s5+$0x0], $0xffff  }
0x10c: {  	v3 =	vld.idx.msk [tilespmem:v3+s5+$0x0], $0xffff  }
0x10d: {  	s15 =	simm.s32 $0x1A870;
	(erf) = vpow2.f32 v5;
	v4 =	vld.idx.msk [tilespmem:v4+s5+$0x0], $0xffff  }
0x10e: {  	v5 =	vld [tilespmem:s15+$0xFFFFFFF0];
	v0 =	vadd.f32 $1.000000020e-16, v0  }
0x10f: {  	v7 =	vld [tilespmem:s17+$0xFFFFFFF0];
	v1 =	vadd.f32 $1.000000020e-16, v1  }
0x110: {  	v8 =	vld [tilespmem:s15+$0x20];
	v2 =	vadd.f32 $1.000000020e-16, v2;
	(erf) = vrcp.f32 v0  }
0x111: {  	v3 =	vadd.f32 $1.000000020e-16, v3;
	v0 =	vld [tilespmem:s15+$0x0];
	(erf) = vrcp.f32 v1  }
0x112: {  	v4 =	vadd.f32 $1.000000020e-16, v4;
	v1 =	vld [tilespmem:s15+$0x10];
	(erf) = vrcp.f32 v2  }
0x113: {  	v9 =	vld [tilespmem:s15+$0xFFFFFFE0];
	(erf) = vrcp.f32 v3;
	v3 =	vmul.f32 $1.442695020e+00, v6  }
0x114: {  	v2 =	vld [tilespmem:s17+$0x0];
	(erf) = vrcp.f32 v4;
	v4 =	vmul.f32 $1.442695020e+00, v7  }
0x115: {  	v10 =	vld [tilespmem:s17+$0x10];
	(erf) = vpow2.f32 v3  }
0x116: {  	s15 =	simm.s32 $0x18870;
	v6 =	vld.idx.msk [tilespmem:v5+s5+$0x0], $0xffff;
	v5 =	vpop (erf);
	(erf) = vpow2.f32 v4  }
0x117: {  	v11 =	vld [tilespmem:s15+$0x20]  }
0x118: {  	v12 =	vld.idx.msk [tilespmem:v8+s5+$0x0], $0xffff  }
0x119: {  	v7 =	vmul.f32 $1.442695020e+00, v2;
	v3 =	vld.idx.msk [tilespmem:v0+s5+$0x0], $0xffff;
	v0 =	vpop (erf)  }
0x11a: {  	v8 =	vmul.f32 $1.442695020e+00, v10;
	v4 =	vld.idx.msk [tilespmem:v1+s5+$0x0], $0xffff;
	v2 =	vpop (erf)  }
0x11b: {  	(erf) = vpow2.f32 v7;
	v7 =	vld [tilespmem:s15+$0xFFFFFFE0];
	v13 =	vmul.f32 v5, v0;
	v0 =	vpop (erf)  }
0x11c: {  	s14 =	simm.s32 $0x1C820;
	v10 =	vmul.f32 $1.442695020e+00, v11;
	v5 =	vld.idx.msk [tilespmem:v9+s5+$0x0], $0xffff;
	(erf) = vpow2.f32 v8;
	v1 =	vpop (erf)  }
0x11d: {  	s16 =	simm.s32 $0x5;
	s17 =	simm.s32 $0x1A8C0;
	v11 =	vadd.f32 $1.000000020e-16, v12;
	v8 =	vld [tilespmem:s15+$0xFFFFFFF0];
	[tilespmem:s14+$0x20] =	vst v13;
	v9 =	vpop (erf)  }
.LBB2_11:
0x11e: {  	v12 =	vld [tilespmem:s17+$0x20];
	s16 =	sadd.s32 $0x5, s16;
	v6 =	vadd.f32 $1.000000020e-16, v6;
	(erf) = vpow2.f32 v10;
	v10 =	vpop (erf)  }
0x11f: {  	v3 =	vadd.f32 $1.000000020e-16, v3;
	v13 =	vld [tilespmem:s17+$0xFFFFFFF0];
	p1 =	slt.u32 s16, $0x78;
	(erf) = vrcp.f32 v11;
	v9 =	vmul.f32 v10, v9;
	v10 =	vpop (erf)  }
0x120: {  	v4 =	vadd.f32 $1.000000020e-16, v4;
	v11 =	vld [tilespmem:s17+$0x0];
	(erf) = vrcp.f32 v6;
	v2 =	vmul.f32 v10, v2  }
0x121: {  	v5 =	vadd.f32 $1.000000020e-16, v5;
	v10 =	vld [tilespmem:s17+$0x10];
	v6 =	vmul.f32 $1.442695020e+00, v7;
	(erf) = vrcp.f32 v3;
	[tilespmem:s14+$0xFFFFFFE0] =	vst v9  }
0x122: {  	v7 =	vld [tilespmem:s17+$0xFFFFFFE0];
	v9 =	vmul.f32 $1.442695020e+00, v8;
	(erf) = vrcp.f32 v4;
	[tilespmem:s14+$0xFFFFFFF0] =	vst v2  }
0x123: {  	v2 =	vld [tilespmem:s15+$0x0];
	(erf) = vrcp.f32 v5  }
0x124: {  	v5 =	vld [tilespmem:s15+$0x10];
	s15 =	sadd.s32 $0x50, s15;
	(erf) = vpow2.f32 v6;
	v4 =	vpop (erf)  }
0x125: {  	v8 =	vld [tilespmem:s15+$0x20];
	(erf) = vpow2.f32 v9;
	v0 =	vmul.f32 v4, v0;
	v3 =	vpop (erf)  }
0x126: {  	v9 =	vld.idx.msk [tilespmem:v12+s5+$0x0], $0xffff;
	v1 =	vmul.f32 v3, v1  }
0x127: {  	v6 =	vld.idx.msk [tilespmem:v13+s5+$0x0], $0xffff;
	v12 =	vpop (erf);
	[tilespmem:s14+$0x0] =	vst v0  }
.Ltmp4:
0x128: {  	v3 =	vld.idx.msk [tilespmem:v11+s5+$0x0], $0xffff;
	v13 =	vmul.f32 $1.442695020e+00, v2;
	v2 =	vpop (erf);
	[tilespmem:s14+$0x10] =	vst v1;
	(pc) =	sbr.rel @p1 .LBB2_11-.Ltmp4, $4  }
0x129: {  	v4 =	vld.idx.msk [tilespmem:v10+s5+$0x0], $0xffff;
	v14 =	vmul.f32 $1.442695020e+00, v5;
	v11 =	vmul.f32 v12, v2;
	v2 =	vpop (erf)  }
0x12a: {  	s14 =	sadd.s32 $0x50, s14;
	v5 =	vld.idx.msk [tilespmem:v7+s5+$0x0], $0xffff;
	(erf) = vpow2.f32 v13;
	v0 =	vpop (erf)  }
0x12b: {  	v10 =	vmul.f32 $1.442695020e+00, v8;
	v7 =	vld [tilespmem:s15+$0xFFFFFFE0];
	[tilespmem:s14+$0x20] =	vst v11;
	(erf) = vpow2.f32 v14;
	v1 =	vpop (erf)  }
0x12c: {  	s17 =	sadd.s32 $0x50, s17;
	v11 =	vadd.f32 $1.000000020e-16, v9;
	v8 =	vld [tilespmem:s15+$0xFFFFFFF0];
	v9 =	vpop (erf)  }
0x12d: {  	v6 =	vadd.f32 $1.000000020e-16, v6;
	(erf) = vpow2.f32 v10  }
0x12e: {  	v3 =	vadd.f32 $1.000000020e-16, v3;
	v10 =	vld [tilespmem:s15+$0x0];
	(erf) = vrcp.f32 v11;
	v4 =	vadd.f32 $1.000000020e-16, v4  }
0x12f: {  	(erf) = vrcp.f32 v6;
	v6 =	vld [tilespmem:s15+$0x10];
	v5 =	vadd.f32 $1.000000020e-16, v5  }
0x130: {  	(erf) = vrcp.f32 v3  }
0x131: {  	v3 =	vmul.f32 $1.442695020e+00, v7;
	(erf) = vrcp.f32 v4  }
0x132: {  	v7 =	vmul.f32 $1.442695020e+00, v8;
	v4 =	vpop (erf);
	(erf) = vrcp.f32 v5  }
0x133: {  	v5 =	vpop (erf);
	(erf) = vpow2.f32 v3;
	v3 =	vmul.f32 $1.442695020e+00, v10  }
0x134: {  	v6 =	vmul.f32 $1.442695020e+00, v6  }
0x135: {  	v8 =	vpop (erf);
	(erf) = vpow2.f32 v7  }
0x136: {  	v7 =	vpop (erf);
	(erf) = vpow2.f32 v3  }
0x137: {  	v4 =	vmul.f32 v4, v9;
	v3 =	vpop (erf);
	(erf) = vpow2.f32 v6  }
0x138: {  	v2 =	vmul.f32 v5, v2;
	v6 =	vpop (erf)  }
0x139: {  	v9 =	vpop (erf)  }
0x13a: {  	v5 =	vpop (erf)  }
0x13b: {  	[tilespmem:s14+$0xFFFFFFE0] =	vst v4;
	v0 =	vmul.f32 v8, v0;
	v4 =	vpop (erf)  }
0x13c: {  	[tilespmem:s14+$0xFFFFFFF0] =	vst v2;
	v1 =	vmul.f32 v7, v1;
	v2 =	vpop (erf)  }
0x13d: {  	[tilespmem:s14+$0x0] =	vst v0;
	v0 =	vmul.f32 v3, v6;
	v3 =	vpop (erf)  }
0x13e: {  	s17 =	sadd.s32 $0x50, s14;
	[tilespmem:s14+$0x10] =	vst v1;
	v1 =	vmul.f32 v3, v2;
	v2 =	vpop (erf)  }
0x13f: {  	[tilespmem:s17+$0x20] =	vst v0;
	v0 =	vmul.f32 v2, v9;
	v2 =	vpop (erf)  }
0x140: {  	[tilespmem:s17+$0xFFFFFFE0] =	vst v1;
	v1 =	vmul.f32 v2, v5;
	v2 =	vpop (erf)  }
0x141: {  	[tilespmem:s17+$0xFFFFFFF0] =	vst v0;
	v0 =	vmul.f32 v2, v4  }
0x142: {  	[tilespmem:s17+$0x0] =	vst v1  }
0x143: {  	s10 =	sadd.s32 s3, s10;
	s14 =	simm.s32 @!p0 $0x6;
	[tilespmem:s17+$0x10] =	vst v0  }
0x144: {  	[hbm4b:s10+s5] =	stream.linear.scatter [tilespmem:s25], [sflag:$0x5], $0x7D0, $0x38;
	[tilespmem:$0x1F080] =	vst v63  }
0x145: {  	_ =	swait.ge @!p0 [sflag:s14], $0x7D0  }
0x146: {  	[sflag:s14] =	ssyncset.done @!p0 $0x0  }
0x147: {  	s15 =	simm.s32 $0x1B010;
	[sflag:s14] =	ssyncadd.s32 @!p0 $0xFFFFF830  }
0x148: {  	s16 =	simm.s32 $0x19010;
	v0 =	vld [tilespmem:s15+$0x0]  }
0x149: {  	v5 =	vld [tilespmem:s16+$0x0]  }
0x14a: {  	v1 =	vld [tilespmem:s15+$0xFFFFFFD0]  }
0x14b: {  	v2 =	vld [tilespmem:s15+$0xFFFFFFE0]  }
0x14c: {  	v3 =	vld [tilespmem:s15+$0xFFFFFFF0]  }
0x14d: {  	v4 =	vld [tilespmem:s15+$0xFFFFFFC0]  }
0x14e: {  	v5 =	vmul.f32 $1.442695020e+00, v5  }
0x14f: {  	s17 =	simm.s32 $0x1B060;
	v6 =	vld [tilespmem:s16+$0xFFFFFFC0]  }
0x150: {  	(erf) = vpow2.f32 v5;
	v5 =	vld [tilespmem:s17+$0xFFFFFFD0]  }
0x151: {  	v0 =	vld.idx.msk [tilespmem:v0+s5+$0x0], $0xffff  }
0x152: {  	v1 =	vld.idx.msk [tilespmem:v1+s5+$0x0], $0xffff  }
0x153: {  	v2 =	vld.idx.msk [tilespmem:v2+s5+$0x0], $0xffff  }
0x154: {  	v3 =	vld.idx.msk [tilespmem:v3+s5+$0x0], $0xffff  }
0x155: {  	v4 =	vld.idx.msk [tilespmem:v4+s5+$0x0], $0xffff  }
0x156: {  	v7 =	vld [tilespmem:s16+$0xFFFFFFD0];
	v0 =	vadd.f32 $1.000000020e-16, v0  }
0x157: {  	v8 =	vld [tilespmem:s17+$0x0];
	v1 =	vadd.f32 $1.000000020e-16, v1  }
0x158: {  	v9 =	vld [tilespmem:s17+$0xFFFFFFC0];
	v2 =	vadd.f32 $1.000000020e-16, v2;
	(erf) = vrcp.f32 v0  }
0x159: {  	v3 =	vadd.f32 $1.000000020e-16, v3;
	v0 =	vld [tilespmem:s17+$0xFFFFFFE0];
	(erf) = vrcp.f32 v1  }
0x15a: {  	v4 =	vadd.f32 $1.000000020e-16, v4;
	v1 =	vld [tilespmem:s17+$0xFFFFFFF0];
	(erf) = vrcp.f32 v2  }
0x15b: {  	v10 =	vld [tilespmem:s16+$0xFFFFFFF0];
	(erf) = vrcp.f32 v3;
	v3 =	vmul.f32 $1.442695020e+00, v6  }
0x15c: {  	v2 =	vld [tilespmem:s16+$0xFFFFFFE0];
	(erf) = vrcp.f32 v4;
	v4 =	vmul.f32 $1.442695020e+00, v7  }
0x15d: {  	v6 =	vld.idx.msk [tilespmem:v5+s5+$0x0], $0xffff;
	v5 =	vpop (erf);
	(erf) = vpow2.f32 v3  }
0x15e: {  	s15 =	simm.s32 $0x19060;
	(erf) = vpow2.f32 v4  }
0x15f: {  	v11 =	vld [tilespmem:s15+$0x0]  }
0x160: {  	v12 =	vld.idx.msk [tilespmem:v8+s5+$0x0], $0xffff  }
0x161: {  	v7 =	vmul.f32 $1.442695020e+00, v2;
	v3 =	vld.idx.msk [tilespmem:v0+s5+$0x0], $0xffff;
	v0 =	vpop (erf)  }
0x162: {  	v8 =	vmul.f32 $1.442695020e+00, v10;
	v4 =	vld.idx.msk [tilespmem:v1+s5+$0x0], $0xffff;
	v2 =	vpop (erf)  }
0x163: {  	(erf) = vpow2.f32 v7;
	v7 =	vld [tilespmem:s15+$0xFFFFFFC0];
	v13 =	vmul.f32 v5, v0;
	v0 =	vpop (erf)  }
0x164: {  	s14 =	simm.s32 $0x1D020;
	v10 =	vmul.f32 $1.442695020e+00, v11;
	v5 =	vld.idx.msk [tilespmem:v9+s5+$0x0], $0xffff;
	(erf) = vpow2.f32 v8;
	v1 =	vpop (erf)  }
0x165: {  	v11 =	vadd.f32 $1.000000020e-16, v12;
	s17 =	simm.s32 $0x1B0B0;
	s16 =	simm.s32 $0x5;
	v8 =	vld [tilespmem:s15+$0xFFFFFFD0];
	[tilespmem:s14+$0x20] =	vst v13;
	v9 =	vpop (erf)  }
.LBB2_13:
0x166: {  	v12 =	vld [tilespmem:s17+$0x0];
	s16 =	sadd.s32 $0x5, s16;
	v6 =	vadd.f32 $1.000000020e-16, v6;
	(erf) = vpow2.f32 v10;
	v10 =	vpop (erf)  }
0x167: {  	v3 =	vadd.f32 $1.000000020e-16, v3;
	v13 =	vld [tilespmem:s17+$0xFFFFFFD0];
	p0 =	slt.u32 s16, $0x78;
	(erf) = vrcp.f32 v11;
	v9 =	vmul.f32 v10, v9;
	v10 =	vpop (erf)  }
0x168: {  	v4 =	vadd.f32 $1.000000020e-16, v4;
	v11 =	vld [tilespmem:s17+$0xFFFFFFE0];
	(erf) = vrcp.f32 v6;
	v2 =	vmul.f32 v10, v2  }
0x169: {  	v5 =	vadd.f32 $1.000000020e-16, v5;
	v10 =	vld [tilespmem:s17+$0xFFFFFFF0];
	v6 =	vmul.f32 $1.442695020e+00, v7;
	(erf) = vrcp.f32 v3;
	[tilespmem:s14+$0xFFFFFFE0] =	vst v9  }
0x16a: {  	v7 =	vld [tilespmem:s17+$0xFFFFFFC0];
	v9 =	vmul.f32 $1.442695020e+00, v8;
	(erf) = vrcp.f32 v4;
	[tilespmem:s14+$0xFFFFFFF0] =	vst v2  }
0x16b: {  	v2 =	vld [tilespmem:s15+$0xFFFFFFE0];
	(erf) = vrcp.f32 v5  }
0x16c: {  	v5 =	vld [tilespmem:s15+$0xFFFFFFF0];
	s15 =	sadd.s32 $0x50, s15;
	(erf) = vpow2.f32 v6;
	v4 =	vpop (erf)  }
0x16d: {  	v8 =	vld [tilespmem:s15+$0x0];
	(erf) = vpow2.f32 v9;
	v0 =	vmul.f32 v4, v0;
	v3 =	vpop (erf)  }
0x16e: {  	v9 =	vld.idx.msk [tilespmem:v12+s5+$0x0], $0xffff;
	v1 =	vmul.f32 v3, v1  }
0x16f: {  	v6 =	vld.idx.msk [tilespmem:v13+s5+$0x0], $0xffff;
	v12 =	vpop (erf);
	[tilespmem:s14+$0x0] =	vst v0  }
.Ltmp5:
0x170: {  	v3 =	vld.idx.msk [tilespmem:v11+s5+$0x0], $0xffff;
	v13 =	vmul.f32 $1.442695020e+00, v2;
	v2 =	vpop (erf);
	[tilespmem:s14+$0x10] =	vst v1;
	(pc) =	sbr.rel @p0 .LBB2_13-.Ltmp5, $4  }
0x171: {  	v4 =	vld.idx.msk [tilespmem:v10+s5+$0x0], $0xffff;
	v14 =	vmul.f32 $1.442695020e+00, v5;
	v11 =	vmul.f32 v12, v2;
	v2 =	vpop (erf)  }
0x172: {  	s14 =	sadd.s32 $0x50, s14;
	v5 =	vld.idx.msk [tilespmem:v7+s5+$0x0], $0xffff;
	(erf) = vpow2.f32 v13;
	v0 =	vpop (erf)  }
0x173: {  	v10 =	vmul.f32 $1.442695020e+00, v8;
	v7 =	vld [tilespmem:s15+$0xFFFFFFC0];
	[tilespmem:s14+$0x20] =	vst v11;
	(erf) = vpow2.f32 v14;
	v1 =	vpop (erf)  }
0x174: {  	s17 =	sadd.s32 $0x50, s17;
	v11 =	vadd.f32 $1.000000020e-16, v9;
	v8 =	vld [tilespmem:s15+$0xFFFFFFD0];
	v9 =	vpop (erf)  }
0x175: {  	v6 =	vadd.f32 $1.000000020e-16, v6;
	(erf) = vpow2.f32 v10  }
0x176: {  	v3 =	vadd.f32 $1.000000020e-16, v3;
	v10 =	vld [tilespmem:s15+$0xFFFFFFE0];
	(erf) = vrcp.f32 v11;
	v4 =	vadd.f32 $1.000000020e-16, v4  }
0x177: {  	(erf) = vrcp.f32 v6;
	v6 =	vld [tilespmem:s15+$0xFFFFFFF0];
	v5 =	vadd.f32 $1.000000020e-16, v5  }
0x178: {  	(erf) = vrcp.f32 v3  }
0x179: {  	v3 =	vmul.f32 $1.442695020e+00, v7;
	(erf) = vrcp.f32 v4  }
0x17a: {  	v7 =	vmul.f32 $1.442695020e+00, v8;
	v4 =	vpop (erf);
	(erf) = vrcp.f32 v5  }
0x17b: {  	v5 =	vpop (erf);
	(erf) = vpow2.f32 v3;
	v3 =	vmul.f32 $1.442695020e+00, v10  }
0x17c: {  	v6 =	vmul.f32 $1.442695020e+00, v6  }
0x17d: {  	v8 =	vpop (erf);
	(erf) = vpow2.f32 v7  }
0x17e: {  	v7 =	vpop (erf);
	(erf) = vpow2.f32 v3  }
0x17f: {  	v4 =	vmul.f32 v4, v9;
	v3 =	vpop (erf);
	(erf) = vpow2.f32 v6  }
0x180: {  	v2 =	vmul.f32 v5, v2;
	v6 =	vpop (erf)  }
0x181: {  	v9 =	vpop (erf)  }
0x182: {  	v5 =	vpop (erf)  }
0x183: {  	[tilespmem:s14+$0xFFFFFFE0] =	vst v4;
	v0 =	vmul.f32 v8, v0;
	v4 =	vpop (erf)  }
0x184: {  	[tilespmem:s14+$0xFFFFFFF0] =	vst v2;
	v1 =	vmul.f32 v7, v1;
	v2 =	vpop (erf)  }
0x185: {  	[tilespmem:s14+$0x0] =	vst v0;
	v0 =	vmul.f32 v3, v6;
	v3 =	vpop (erf)  }
0x186: {  	s16 =	sadd.s32 $0x50, s14;
	[tilespmem:s14+$0x10] =	vst v1;
	v1 =	vmul.f32 v3, v2;
	v2 =	vpop (erf)  }
0x187: {  	[tilespmem:s16+$0x20] =	vst v0;
	v0 =	vmul.f32 v2, v9;
	v2 =	vpop (erf)  }
0x188: {  	[tilespmem:s16+$0xFFFFFFE0] =	vst v1;
	v1 =	vmul.f32 v2, v5;
	v2 =	vpop (erf)  }
0x189: {  	p0 =	seq.s32 s11, $0x18;
	[tilespmem:s16+$0xFFFFFFF0] =	vst v0;
	v0 =	vmul.f32 v2, v4  }
0x18a: {  	s13 =	sshrl.u32 @!p0 s13, $0x3;
	[tilespmem:s16+$0x0] =	vst v1  }
0x18b: {  	s17 =	sadd.s32 $0xFA, s10;
	s13 =	sadd.s32 @!p0 $0x3E8, s13;
	[tilespmem:s16+$0x10] =	vst v0  }
0x18c: {  	[hbm4b:s17+s5] =	stream.linear.scatter [tilespmem:s26], [sflag:$0x6], $0x7D0, $0x38;
	[tilespmem:$0x1F080] =	vst v63  }
0x18d: {  	s15 =	simm.s32 @!p0 $0x0;
	s14 =	sadd.s32 @!p0 s0, s13;
	s16 =	simm.s32 @!p0 $0x18800  }
0x18e: {  	[tilespmem:s16], [sflag:$0x1] =	stream.linear.gather @!p0 [hbm4b:s14+s15], $0xFA0, $0x38;
	[tilespmem:$0x1F080] =	vst v63  }
0x18f: {  	s13 =	sadd.s32 @!p0 s7, s13;
	s14 =	simm.s32 @!p0 $0x1A800  }
0x190: {  	[tilespmem:s14], [sflag:$0x3] =	stream.linear.gather @!p0 [hbm4b:s13+s15], $0xFA0, $0x38;
	[tilespmem:$0x1F080] =	vst v63  }
0x191: {  	_ =	swait.ge [sflag:s24], $0xFA0  }
0x192: {  	[sflag:s24] =	ssyncset.done $0x0  }
0x193: {  	[sflag:s24] =	ssyncadd.s32 $0xFFFFF060  }
0x194: {  	_ =	swait.ge [sflag:s4], $0xFA0  }
0x195: {  	[sflag:s4] =	ssyncset.done $0x0  }
0x196: {  	[sflag:s4] =	ssyncadd.s32 $0xFFFFF060  }
0x197: {  	_ =	swait.ge [sflag:s28], $0x7D0  }
0x198: {  	[sflag:s28] =	ssyncset.done $0x0  }
0x199: {  	s15 =	simm.s32 $0x1B820;
	[sflag:s28] =	ssyncadd.s32 $0xFFFFF830  }
0x19a: {  	s16 =	simm.s32 $0x19820;
	v0 =	vld [tilespmem:s15+$0x20]  }
0x19b: {  	v5 =	vld [tilespmem:s16+$0x20]  }
0x19c: {  	v1 =	vld [tilespmem:s15+$0xFFFFFFF0]  }
0x19d: {  	v2 =	vld [tilespmem:s15+$0x0]  }
0x19e: {  	v3 =	vld [tilespmem:s15+$0x10]  }
0x19f: {  	v4 =	vld [tilespmem:s15+$0xFFFFFFE0]  }
0x1a0: {  	v5 =	vmul.f32 $1.442695020e+00, v5  }
0x1a1: {  	s17 =	simm.s32 $0x1B870;
	v6 =	vld [tilespmem:s16+$0xFFFFFFE0]  }
0x1a2: {  	(erf) = vpow2.f32 v5;
	v5 =	vld [tilespmem:s17+$0xFFFFFFF0]  }
0x1a3: {  	v0 =	vld.idx.msk [tilespmem:v0+s5+$0x0], $0xffff  }
0x1a4: {  	v1 =	vld.idx.msk [tilespmem:v1+s5+$0x0], $0xffff  }
0x1a5: {  	v2 =	vld.idx.msk [tilespmem:v2+s5+$0x0], $0xffff  }
0x1a6: {  	v3 =	vld.idx.msk [tilespmem:v3+s5+$0x0], $0xffff  }
0x1a7: {  	v4 =	vld.idx.msk [tilespmem:v4+s5+$0x0], $0xffff  }
0x1a8: {  	v7 =	vld [tilespmem:s16+$0xFFFFFFF0];
	v0 =	vadd.f32 $1.000000020e-16, v0  }
0x1a9: {  	v8 =	vld [tilespmem:s17+$0x20];
	v1 =	vadd.f32 $1.000000020e-16, v1  }
0x1aa: {  	v9 =	vld [tilespmem:s17+$0xFFFFFFE0];
	v2 =	vadd.f32 $1.000000020e-16, v2;
	(erf) = vrcp.f32 v0  }
0x1ab: {  	v3 =	vadd.f32 $1.000000020e-16, v3;
	v0 =	vld [tilespmem:s17+$0x0];
	(erf) = vrcp.f32 v1  }
0x1ac: {  	v4 =	vadd.f32 $1.000000020e-16, v4;
	v1 =	vld [tilespmem:s17+$0x10];
	(erf) = vrcp.f32 v2  }
0x1ad: {  	v10 =	vld [tilespmem:s16+$0x10];
	(erf) = vrcp.f32 v3;
	v3 =	vmul.f32 $1.442695020e+00, v6  }
0x1ae: {  	v2 =	vld [tilespmem:s16+$0x0];
	(erf) = vrcp.f32 v4;
	v4 =	vmul.f32 $1.442695020e+00, v7  }
0x1af: {  	v6 =	vld.idx.msk [tilespmem:v5+s5+$0x0], $0xffff;
	v5 =	vpop (erf);
	(erf) = vpow2.f32 v3  }
0x1b0: {  	s14 =	simm.s32 $0x19870;
	(erf) = vpow2.f32 v4  }
0x1b1: {  	v11 =	vld [tilespmem:s14+$0x20]  }
0x1b2: {  	v12 =	vld.idx.msk [tilespmem:v8+s5+$0x0], $0xffff  }
0x1b3: {  	v7 =	vmul.f32 $1.442695020e+00, v2;
	v3 =	vld.idx.msk [tilespmem:v0+s5+$0x0], $0xffff;
	v0 =	vpop (erf)  }
0x1b4: {  	v8 =	vmul.f32 $1.442695020e+00, v10;
	v4 =	vld.idx.msk [tilespmem:v1+s5+$0x0], $0xffff;
	v2 =	vpop (erf)  }
0x1b5: {  	(erf) = vpow2.f32 v7;
	v7 =	vld [tilespmem:s14+$0xFFFFFFE0];
	v13 =	vmul.f32 v5, v0;
	v0 =	vpop (erf)  }
0x1b6: {  	s11 =	sadd.s32 $0x1, s11;
	s13 =	simm.s32 $0x1C820;
	v10 =	vmul.f32 $1.442695020e+00, v11;
	v5 =	vld.idx.msk [tilespmem:v9+s5+$0x0], $0xffff;
	(erf) = vpow2.f32 v8;
	v1 =	vpop (erf)  }
0x1b7: {  	s12 =	sadd.s32 s3, s12;
	s15 =	simm.s32 $0x5;
	v11 =	vadd.f32 $1.000000020e-16, v12;
	s16 =	simm.s32 $0x1B8C0;
	v8 =	vld [tilespmem:s14+$0xFFFFFFF0];
	[tilespmem:s13+$0x20] =	vst v13;
	v9 =	vpop (erf)  }
.LBB2_15:
0x1b8: {  	v12 =	vld [tilespmem:s16+$0x20];
	s15 =	sadd.s32 $0x5, s15;
	v6 =	vadd.f32 $1.000000020e-16, v6;
	(erf) = vpow2.f32 v10;
	v10 =	vpop (erf)  }
0x1b9: {  	v3 =	vadd.f32 $1.000000020e-16, v3;
	v13 =	vld [tilespmem:s16+$0xFFFFFFF0];
	p0 =	slt.u32 s15, $0x78;
	(erf) = vrcp.f32 v11;
	v9 =	vmul.f32 v10, v9;
	v10 =	vpop (erf)  }
0x1ba: {  	v4 =	vadd.f32 $1.000000020e-16, v4;
	v11 =	vld [tilespmem:s16+$0x0];
	(erf) = vrcp.f32 v6;
	v2 =	vmul.f32 v10, v2  }
0x1bb: {  	v5 =	vadd.f32 $1.000000020e-16, v5;
	v10 =	vld [tilespmem:s16+$0x10];
	v6 =	vmul.f32 $1.442695020e+00, v7;
	(erf) = vrcp.f32 v3;
	[tilespmem:s13+$0xFFFFFFE0] =	vst v9  }
0x1bc: {  	v7 =	vld [tilespmem:s16+$0xFFFFFFE0];
	v9 =	vmul.f32 $1.442695020e+00, v8;
	(erf) = vrcp.f32 v4;
	[tilespmem:s13+$0xFFFFFFF0] =	vst v2  }
0x1bd: {  	v2 =	vld [tilespmem:s14+$0x0];
	(erf) = vrcp.f32 v5  }
0x1be: {  	v5 =	vld [tilespmem:s14+$0x10];
	s14 =	sadd.s32 $0x50, s14;
	(erf) = vpow2.f32 v6;
	v4 =	vpop (erf)  }
0x1bf: {  	v8 =	vld [tilespmem:s14+$0x20];
	(erf) = vpow2.f32 v9;
	v0 =	vmul.f32 v4, v0;
	v3 =	vpop (erf)  }
0x1c0: {  	v9 =	vld.idx.msk [tilespmem:v12+s5+$0x0], $0xffff;
	v1 =	vmul.f32 v3, v1  }
0x1c1: {  	v6 =	vld.idx.msk [tilespmem:v13+s5+$0x0], $0xffff;
	v12 =	vpop (erf);
	[tilespmem:s13+$0x0] =	vst v0  }
.Ltmp6:
0x1c2: {  	v3 =	vld.idx.msk [tilespmem:v11+s5+$0x0], $0xffff;
	v13 =	vmul.f32 $1.442695020e+00, v2;
	v2 =	vpop (erf);
	[tilespmem:s13+$0x10] =	vst v1;
	(pc) =	sbr.rel @p0 .LBB2_15-.Ltmp6, $4  }
0x1c3: {  	v4 =	vld.idx.msk [tilespmem:v10+s5+$0x0], $0xffff;
	v14 =	vmul.f32 $1.442695020e+00, v5;
	v11 =	vmul.f32 v12, v2;
	v2 =	vpop (erf)  }
0x1c4: {  	s13 =	sadd.s32 $0x50, s13;
	v5 =	vld.idx.msk [tilespmem:v7+s5+$0x0], $0xffff;
	(erf) = vpow2.f32 v13;
	v0 =	vpop (erf)  }
0x1c5: {  	v10 =	vmul.f32 $1.442695020e+00, v8;
	v7 =	vld [tilespmem:s14+$0xFFFFFFE0];
	[tilespmem:s13+$0x20] =	vst v11;
	(erf) = vpow2.f32 v14;
	v1 =	vpop (erf)  }
0x1c6: {  	s16 =	sadd.s32 $0x50, s16;
	v11 =	vadd.f32 $1.000000020e-16, v9;
	v8 =	vld [tilespmem:s14+$0xFFFFFFF0];
	v9 =	vpop (erf)  }
0x1c7: {  	v6 =	vadd.f32 $1.000000020e-16, v6;
	(erf) = vpow2.f32 v10  }
0x1c8: {  	v3 =	vadd.f32 $1.000000020e-16, v3;
	v10 =	vld [tilespmem:s14+$0x0];
	(erf) = vrcp.f32 v11;
	v4 =	vadd.f32 $1.000000020e-16, v4  }
0x1c9: {  	(erf) = vrcp.f32 v6;
	v6 =	vld [tilespmem:s14+$0x10];
	v5 =	vadd.f32 $1.000000020e-16, v5  }
0x1ca: {  	(erf) = vrcp.f32 v3  }
0x1cb: {  	v3 =	vmul.f32 $1.442695020e+00, v7;
	(erf) = vrcp.f32 v4  }
0x1cc: {  	v7 =	vmul.f32 $1.442695020e+00, v8;
	v4 =	vpop (erf);
	(erf) = vrcp.f32 v5  }
0x1cd: {  	v5 =	vpop (erf);
	(erf) = vpow2.f32 v3;
	v3 =	vmul.f32 $1.442695020e+00, v10  }
0x1ce: {  	v6 =	vmul.f32 $1.442695020e+00, v6  }
0x1cf: {  	v8 =	vpop (erf);
	(erf) = vpow2.f32 v7  }
0x1d0: {  	v7 =	vpop (erf);
	(erf) = vpow2.f32 v3  }
0x1d1: {  	v4 =	vmul.f32 v4, v9;
	v3 =	vpop (erf);
	(erf) = vpow2.f32 v6  }
0x1d2: {  	v2 =	vmul.f32 v5, v2;
	v6 =	vpop (erf)  }
0x1d3: {  	v9 =	vpop (erf)  }
0x1d4: {  	v5 =	vpop (erf)  }
0x1d5: {  	[tilespmem:s13+$0xFFFFFFE0] =	vst v4;
	v0 =	vmul.f32 v8, v0;
	v4 =	vpop (erf)  }
0x1d6: {  	[tilespmem:s13+$0xFFFFFFF0] =	vst v2;
	v1 =	vmul.f32 v7, v1;
	v2 =	vpop (erf)  }
0x1d7: {  	[tilespmem:s13+$0x0] =	vst v0;
	v0 =	vmul.f32 v3, v6;
	v3 =	vpop (erf)  }
0x1d8: {  	s14 =	sadd.s32 $0x50, s13;
	[tilespmem:s13+$0x10] =	vst v1;
	v1 =	vmul.f32 v3, v2;
	v2 =	vpop (erf)  }
0x1d9: {  	[tilespmem:s14+$0x20] =	vst v0;
	v0 =	vmul.f32 v2, v9;
	v2 =	vpop (erf)  }
0x1da: {  	[tilespmem:s14+$0xFFFFFFE0] =	vst v1;
	v1 =	vmul.f32 v2, v5;
	v2 =	vpop (erf)  }
0x1db: {  	[tilespmem:s14+$0xFFFFFFF0] =	vst v0;
	v0 =	vmul.f32 v2, v4  }
0x1dc: {  	[tilespmem:s14+$0x0] =	vst v1  }
0x1dd: {  	[tilespmem:s14+$0x10] =	vst v0  }
0x1de: {  	[hbm4b:s12+s5] =	stream.linear.scatter [tilespmem:s25], [sflag:$0x5], $0x7D0, $0x38;
	[tilespmem:$0x1F080] =	vst v63  }
0x1df: {  	_ =	swait.ge [sflag:s29], $0x7D0  }
0x1e0: {  	[sflag:s29] =	ssyncset.done $0x0  }
0x1e1: {  	s15 =	simm.s32 $0x1C010;
	[sflag:s29] =	ssyncadd.s32 $0xFFFFF830  }
0x1e2: {  	s16 =	simm.s32 $0x1A010;
	v0 =	vld [tilespmem:s15+$0x0]  }
0x1e3: {  	v5 =	vld [tilespmem:s16+$0x0]  }
0x1e4: {  	v1 =	vld [tilespmem:s15+$0xFFFFFFD0]  }
0x1e5: {  	v2 =	vld [tilespmem:s15+$0xFFFFFFE0]  }
0x1e6: {  	v3 =	vld [tilespmem:s15+$0xFFFFFFF0]  }
0x1e7: {  	v4 =	vld [tilespmem:s15+$0xFFFFFFC0]  }
0x1e8: {  	v5 =	vmul.f32 $1.442695020e+00, v5  }
0x1e9: {  	s17 =	simm.s32 $0x1C060;
	v6 =	vld [tilespmem:s16+$0xFFFFFFC0]  }
0x1ea: {  	(erf) = vpow2.f32 v5;
	v5 =	vld [tilespmem:s17+$0xFFFFFFD0]  }
0x1eb: {  	v0 =	vld.idx.msk [tilespmem:v0+s5+$0x0], $0xffff  }
0x1ec: {  	v1 =	vld.idx.msk [tilespmem:v1+s5+$0x0], $0xffff  }
0x1ed: {  	v2 =	vld.idx.msk [tilespmem:v2+s5+$0x0], $0xffff  }
0x1ee: {  	v3 =	vld.idx.msk [tilespmem:v3+s5+$0x0], $0xffff  }
0x1ef: {  	v4 =	vld.idx.msk [tilespmem:v4+s5+$0x0], $0xffff  }
0x1f0: {  	v7 =	vld [tilespmem:s16+$0xFFFFFFD0];
	v0 =	vadd.f32 $1.000000020e-16, v0  }
0x1f1: {  	v8 =	vld [tilespmem:s17+$0x0];
	v1 =	vadd.f32 $1.000000020e-16, v1  }
0x1f2: {  	v9 =	vld [tilespmem:s17+$0xFFFFFFC0];
	v2 =	vadd.f32 $1.000000020e-16, v2;
	(erf) = vrcp.f32 v0  }
0x1f3: {  	v3 =	vadd.f32 $1.000000020e-16, v3;
	v0 =	vld [tilespmem:s17+$0xFFFFFFE0];
	(erf) = vrcp.f32 v1  }
0x1f4: {  	v4 =	vadd.f32 $1.000000020e-16, v4;
	v1 =	vld [tilespmem:s17+$0xFFFFFFF0];
	(erf) = vrcp.f32 v2  }
0x1f5: {  	v10 =	vld [tilespmem:s16+$0xFFFFFFF0];
	(erf) = vrcp.f32 v3;
	v3 =	vmul.f32 $1.442695020e+00, v6  }
0x1f6: {  	v2 =	vld [tilespmem:s16+$0xFFFFFFE0];
	(erf) = vrcp.f32 v4;
	v4 =	vmul.f32 $1.442695020e+00, v7  }
0x1f7: {  	v6 =	vld.idx.msk [tilespmem:v5+s5+$0x0], $0xffff;
	v5 =	vpop (erf);
	(erf) = vpow2.f32 v3  }
0x1f8: {  	s13 =	simm.s32 $0x1A060;
	(erf) = vpow2.f32 v4  }
0x1f9: {  	v11 =	vld [tilespmem:s13+$0x0]  }
0x1fa: {  	v12 =	vld.idx.msk [tilespmem:v8+s5+$0x0], $0xffff  }
0x1fb: {  	v7 =	vmul.f32 $1.442695020e+00, v2;
	v3 =	vld.idx.msk [tilespmem:v0+s5+$0x0], $0xffff;
	v0 =	vpop (erf)  }
0x1fc: {  	v8 =	vmul.f32 $1.442695020e+00, v10;
	v4 =	vld.idx.msk [tilespmem:v1+s5+$0x0], $0xffff;
	v2 =	vpop (erf)  }
0x1fd: {  	(erf) = vpow2.f32 v7;
	v7 =	vld [tilespmem:s13+$0xFFFFFFC0];
	v13 =	vmul.f32 v5, v0;
	v0 =	vpop (erf)  }
0x1fe: {  	s12 =	simm.s32 $0x1D020;
	v10 =	vmul.f32 $1.442695020e+00, v11;
	v5 =	vld.idx.msk [tilespmem:v9+s5+$0x0], $0xffff;
	(erf) = vpow2.f32 v8;
	v1 =	vpop (erf)  }
0x1ff: {  	s14 =	simm.s32 $0x5;
	s15 =	simm.s32 $0x1C0B0;
	v11 =	vadd.f32 $1.000000020e-16, v12;
	v8 =	vld [tilespmem:s13+$0xFFFFFFD0];
	[tilespmem:s12+$0x20] =	vst v13;
	v9 =	vpop (erf)  }
.LBB2_17:
0x200: {  	v12 =	vld [tilespmem:s15+$0x0];
	s14 =	sadd.s32 $0x5, s14;
	v6 =	vadd.f32 $1.000000020e-16, v6;
	(erf) = vpow2.f32 v10;
	v10 =	vpop (erf)  }
0x201: {  	v3 =	vadd.f32 $1.000000020e-16, v3;
	v13 =	vld [tilespmem:s15+$0xFFFFFFD0];
	p0 =	slt.u32 s14, $0x78;
	(erf) = vrcp.f32 v11;
	v9 =	vmul.f32 v10, v9;
	v10 =	vpop (erf)  }
0x202: {  	v4 =	vadd.f32 $1.000000020e-16, v4;
	v11 =	vld [tilespmem:s15+$0xFFFFFFE0];
	(erf) = vrcp.f32 v6;
	v2 =	vmul.f32 v10, v2  }
0x203: {  	v5 =	vadd.f32 $1.000000020e-16, v5;
	v10 =	vld [tilespmem:s15+$0xFFFFFFF0];
	v6 =	vmul.f32 $1.442695020e+00, v7;
	(erf) = vrcp.f32 v3;
	[tilespmem:s12+$0xFFFFFFE0] =	vst v9  }
0x204: {  	v7 =	vld [tilespmem:s15+$0xFFFFFFC0];
	v9 =	vmul.f32 $1.442695020e+00, v8;
	(erf) = vrcp.f32 v4;
	[tilespmem:s12+$0xFFFFFFF0] =	vst v2  }
0x205: {  	v2 =	vld [tilespmem:s13+$0xFFFFFFE0];
	(erf) = vrcp.f32 v5  }
0x206: {  	v5 =	vld [tilespmem:s13+$0xFFFFFFF0];
	s13 =	sadd.s32 $0x50, s13;
	(erf) = vpow2.f32 v6;
	v4 =	vpop (erf)  }
0x207: {  	v8 =	vld [tilespmem:s13+$0x0];
	(erf) = vpow2.f32 v9;
	v0 =	vmul.f32 v4, v0;
	v3 =	vpop (erf)  }
0x208: {  	v9 =	vld.idx.msk [tilespmem:v12+s5+$0x0], $0xffff;
	v1 =	vmul.f32 v3, v1  }
0x209: {  	v6 =	vld.idx.msk [tilespmem:v13+s5+$0x0], $0xffff;
	v12 =	vpop (erf);
	[tilespmem:s12+$0x0] =	vst v0  }
.Ltmp7:
0x20a: {  	v3 =	vld.idx.msk [tilespmem:v11+s5+$0x0], $0xffff;
	v13 =	vmul.f32 $1.442695020e+00, v2;
	v2 =	vpop (erf);
	[tilespmem:s12+$0x10] =	vst v1;
	(pc) =	sbr.rel @p0 .LBB2_17-.Ltmp7, $4  }
0x20b: {  	v4 =	vld.idx.msk [tilespmem:v10+s5+$0x0], $0xffff;
	v14 =	vmul.f32 $1.442695020e+00, v5;
	v11 =	vmul.f32 v12, v2;
	v2 =	vpop (erf)  }
0x20c: {  	s12 =	sadd.s32 $0x50, s12;
	v5 =	vld.idx.msk [tilespmem:v7+s5+$0x0], $0xffff;
	(erf) = vpow2.f32 v13;
	v0 =	vpop (erf)  }
0x20d: {  	v10 =	vmul.f32 $1.442695020e+00, v8;
	v7 =	vld [tilespmem:s13+$0xFFFFFFC0];
	[tilespmem:s12+$0x20] =	vst v11;
	(erf) = vpow2.f32 v14;
	v1 =	vpop (erf)  }
0x20e: {  	s15 =	sadd.s32 $0x50, s15;
	v11 =	vadd.f32 $1.000000020e-16, v9;
	v8 =	vld [tilespmem:s13+$0xFFFFFFD0];
	v9 =	vpop (erf)  }
0x20f: {  	v6 =	vadd.f32 $1.000000020e-16, v6;
	(erf) = vpow2.f32 v10  }
0x210: {  	v3 =	vadd.f32 $1.000000020e-16, v3;
	v40 =	vld [tilespmem:s13+$0xFFFFFFE0];
	(erf) = vrcp.f32 v11  }
0x211: {  	v41 =	vld [tilespmem:s13+$0xFFFFFFF0];
	v4 =	vadd.f32 $1.000000020e-16, v4;
	(erf) = vrcp.f32 v6  }
0x212: {  	v5 =	vadd.f32 $1.000000020e-16, v5;
	(erf) = vrcp.f32 v3  }
0x213: {  	v42 =	vmul.f32 $1.442695020e+00, v7;
	(erf) = vrcp.f32 v4  }
0x214: {  	v43 =	vpop (erf);
	v44 =	vmul.f32 $1.442695020e+00, v8;
	(erf) = vrcp.f32 v5  }
0x215: {  	v45 =	vpop (erf);
	v46 =	vmul.f32 $1.442695020e+00, v40;
	(erf) = vpow2.f32 v42  }
0x216: {  	v6 =	vmul.f32 $1.442695020e+00, v41;
	v47 =	vpop (erf);
	(erf) = vpow2.f32 v44  }
0x217: {  	v48 =	vpop (erf);
	(erf) = vpow2.f32 v46  }
0x218: {  	v49 =	vpop (erf);
	(erf) = vpow2.f32 v6  }
0x219: {  	v50 =	vpop (erf)  }
0x21a: {  	v2 =	vmul.f32 v45, v2;
	v51 =	vpop (erf)  }
0x21b: {  	v4 =	vmul.f32 v43, v9;
	v52 =	vpop (erf)  }
0x21c: {  	[tilespmem:s12+$0xFFFFFFF0] =	vst v2;
	v0 =	vmul.f32 v47, v0;
	v53 =	vpop (erf)  }
0x21d: {  	[tilespmem:s12+$0xFFFFFFE0] =	vst v4;
	v1 =	vmul.f32 v48, v1;
	v54 =	vpop (erf)  }
0x21e: {  	[tilespmem:s12+$0x0] =	vst v0;
	v55 =	vmul.f32 v49, v50;
	v56 =	vpop (erf)  }
0x21f: {  	s17 =	sadd.s32 $0x50, s12;
	[tilespmem:s12+$0x10] =	vst v1;
	v57 =	vmul.f32 v56, v54;
	v58 =	vpop (erf)  }
0x220: {  	p0 =	sne.s32 s11, $0x19;
	[tilespmem:s17+$0x20] =	vst v55;
	v59 =	vmul.f32 v58, v51;
	v60 =	vpop (erf)  }
.Ltmp8:
0x221: {  	[tilespmem:s17+$0xFFFFFFE0] =	vst v57;
	v61 =	vmul.f32 v60, v52;
	v62 =	vpop (erf);
	(pc) =	sbr.rel @p0 .LBB2_10-.Ltmp8, $4  }
0x222: {  	[tilespmem:s17+$0xFFFFFFF0] =	vst v59;
	v63 =	vmul.f32 v62, v53  }
0x223: {  	[tilespmem:s17+$0x0] =	vst v61  }
0x224: {  	s10 =	sadd.s32 $0x2EE, s10;
	[tilespmem:s17+$0x10] =	vst v63  }
0x225: {  	[hbm4b:s10+s5] =	stream.linear.scatter [tilespmem:s26], [sflag:$0x6], $0x7D0, $0x38;
	[tilespmem:$0x1F080] =	vst v63  }
0x226: {  	s8 =	sadd.s32 $0x1, s8  }
0x227: {  	_ =	swait.ge [sflag:s28], $0x7D0;
	p0 =	sne.s32 s8, s22  }
.Ltmp9:
0x228: {  	[sflag:s28] =	ssyncset.done $0x0;
	(pc) =	sbr.rel @p0 .LBB2_1-.Ltmp9, $4  }
0x229: {  	[sflag:s28] =	ssyncadd.s32 $0xFFFFF830  }
0x22a: {  	_ =	swait.ge [sflag:s29], $0x7D0  }
0x22b: {  	[sflag:s29] =	ssyncset.done $0x0  }
0x22c: {  	[sflag:s29] =	ssyncadd.s32 $0xFFFFF830  }
0x22d: {  	_ =	sfence.sel $0x180000  }
0x22e: {  	[bflag:$0x0] =	sbarrier.arrive $0xFFFF  }
0x22f: {  	_ =	strace $0x9000004A  }
0x230: {  	s0 =	stileid.u32;
	[bflag:$0x2] =	sbarrier.arrive $0xFFFF  }
0x231: {  	p0 =	sne.s32 s0, $0x0;
	s0 =	rddreg [dreg:$0x4]  }
0x232: {  	s0 =	sadd.s32 @!p0 $0x100000, s0  }
0x233: {  	[sflag:s0] =	ssyncadd.tile.s32 @!p0 $0x1;
	_ =	shalt  }
.Lfunc_end2:
_tile_overlayer_lowered:
.L_overlay_start_2:
0x234: {  	(tag) =	ssettag $0x2  }
0x235: {  	s0 =	rddreg [dreg:$0x0];
	s2 =	stileid.u32  }
0x236: {  	s1 =	rddreg [dreg:$0x1];
	p0 =	sne.s32 s2, $0x0  }
0x237: {  	s3 =	rddreg [dreg:$0x2];
	[bflag:$0x3] =	sbarrier.arrive $0xFFFF;
	s2 =	simm.s32 @!p0 $0x1C07  }
0x238: {  	[timem:s3], [sflag:s2] =	dma.local @!p0 [hbm:s0], s1  }
0x239: {  	s0 =	simm.s32 @!p0 $0x7  }
0x23a: {  	_ =	swait.ge @!p0 [sflag:s0], s1  }
0x23b: {  	s1 =	ssub.s32 @!p0 $0x0, s1;
	[sflag:s0] =	ssyncset.done @!p0 $0x0  }
0x23c: {  	[sflag:s0] =	ssyncadd.s32 @!p0 s1  }
0x23d: {  	[bflag:$0x3] =	sbarrier.arrive $0xFFFF  }
0x23e: {  	_ =	shalt  }

</sc_bundles>
